<compile_context>
chip_gen: v7x
topology: tpu7x:2x2x1
jax: 0.10.2.dev20260603
libtpu: 0.0.44.dev20260713+nightly
codegen_flags: <defaults>
</compile_context>

<pallas_src>
import dataclasses
import functools

import jax
import jax.numpy as jnp
from jax import lax
from jax.experimental import pallas as pl
from jax.experimental.pallas import tpu as pltpu
from jax.experimental.pallas import tpu_sc as plsc

N = 10000
NP = 10240
D = 128
E = 320000

NC = 2
NS = 16
GROUP = 128
EP = 327680
GP_TOT = EP // GROUP
NG_SUB = GP_TOT // (NC * NS)
SUB_E = NG_SUB * GROUP
ROWS_PER_SUB = NP // NS
RCHUNK = 128

_mesh_cache = []


def _mesh():
    if not _mesh_cache:
        _mesh_cache.append(plsc.VectorSubcoreMesh(
            core_axis_name="c", subcore_axis_name="s",
            num_cores=NC, num_subcores=NS,
        ))
    return _mesh_cache[0]


def _sc_segsum(table, src2d, dst2d, zeros_block, with_counts=False):

    out_types = [jax.ShapeDtypeStruct((NC * NP, D), jnp.float32)]
    scratch = [
        pltpu.VMEM((NG_SUB, GROUP), jnp.int32),
        pltpu.VMEM((NG_SUB, GROUP), jnp.int32),
        pltpu.VMEM((GROUP, D), jnp.float32),
        pltpu.VMEM_SHARED((NP, D), jnp.float32),
        pltpu.SemaphoreType.DMA,
    ]
    cp = pltpu.CompilerParams()
    if with_counts:
        out_types.append(jax.ShapeDtypeStruct((NC * NS, SUB_E), jnp.float32))
        scratch.append(pltpu.VMEM((SUB_E,), jnp.float32))
        if "needs_layout_passes" in pltpu.CompilerParams.__dataclass_fields__:
            cp = dataclasses.replace(cp, needs_layout_passes=False)

    @functools.partial(
        pl.kernel,
        out_type=tuple(out_types) if with_counts else out_types[0],
        mesh=_mesh(),
        compiler_params=cp,
        scratch_types=scratch,
    )
    def k(table_hbm, src_hbm, dst_hbm, zero_hbm, *rest):
        if with_counts:
            out_hbm, cnt_hbm, sidx, didx, rows0, acc, sem0, cacc = rest
        else:
            out_hbm, sidx, didx, rows0, acc, sem0 = rest
        cid = lax.axis_index("c")
        sid = lax.axis_index("s")

        pltpu.sync_copy(zero_hbm, rows0)
        rbase = sid * ROWS_PER_SUB
        for j in range(ROWS_PER_SUB // RCHUNK):
            pltpu.sync_copy(
                rows0.at[pl.ds(0, RCHUNK)],
                acc.at[pl.ds(rbase + j * RCHUNK, RCHUNK)],
            )

        gbase = cid * (GP_TOT // NC) + sid * NG_SUB
        pltpu.sync_copy(src_hbm.at[pl.ds(gbase, NG_SUB)], sidx)
        pltpu.sync_copy(dst_hbm.at[pl.ds(gbase, NG_SUB)], didx)
        plsc.subcore_barrier()

        @pl.loop(0, NG_SUB)
        def _(j):
            pltpu.async_copy(table_hbm.at[sidx.at[j]], rows0, sem0).wait()
            pltpu.sync_copy(rows0, acc.at[didx.at[j]], add=True)

        if with_counts:
            wid = cid * NS + sid

            @pl.loop(0, SUB_E, step=16)
            def _(e):
                cacc[pl.ds(e, 16)] = jnp.zeros((16,), jnp.float32)

            nrows = jnp.minimum(jnp.maximum(E // GROUP - gbase, 0), NG_SUB)
            ones16 = jnp.ones((16,), jnp.float32)

            @pl.loop(0, nrows)
            def _(j):
                for kk in range(GROUP // 16):
                    iv = didx[j, pl.ds(kk * 16, 16)]
                    plsc.addupdate_scatter(cacc, [iv], ones16)

            pltpu.sync_copy(cacc, cnt_hbm.at[wid])

        plsc.subcore_barrier()
        pltpu.sync_copy(
            acc.at[pl.ds(rbase, ROWS_PER_SUB)],
            out_hbm.at[pl.ds(cid * NP + rbase, ROWS_PER_SUB)],
        )

    return k(table, src2d, dst2d, zeros_block)


_BLK = 1024
_GRID = NP // _BLK


def _tc_proj(x, WpT, bp):

    def body(x_ref, w_ref, b_ref, o_ref):
        o_ref[...] = jax.nn.relu(
            jnp.dot(x_ref[...], w_ref[...],
                    preferred_element_type=jnp.float32) + b_ref[...]
        )

        @pl.when(pl.program_id(0) == _GRID - 1)
        def _():
            o_ref[pl.ds(_BLK - (NP - N), NP - N), :] = jnp.zeros(
                (NP - N, D), jnp.float32)

    return pl.pallas_call(
        body,
        grid=(_GRID,),
        in_specs=[
            pl.BlockSpec((_BLK, D), lambda i: (i, 0)),
            pl.BlockSpec((D, D), lambda i: (0, 0)),
            pl.BlockSpec((1, D), lambda i: (0, 0)),
        ],
        out_specs=pl.BlockSpec((_BLK, D), lambda i: (i, 0)),
        out_shape=jax.ShapeDtypeStruct((NP, D), jnp.float32),
    )(x, WpT, bp.reshape(1, D))


def _tc_post(partials, cnt32, x, WlT, bl, WrT, norm_relu, WpT=None, bp=None):
    fuse_proj = WpT is not None
    npad = NP - N

    def body(*refs):
        if fuse_proj:
            p_ref, c_ref, x_ref, wl_ref, b_ref, wr_ref, wp_ref, bp_ref, \
                o_ref, xs_ref = refs
        else:
            p_ref, c_ref, x_ref, wl_ref, b_ref, wr_ref, o_ref = refs
        summed = p_ref[0] + p_ref[1]
        cvec = jnp.sum(c_ref[...], axis=0)
        eye = jnp.eye(128, dtype=jnp.float32)
        cols = [
            jnp.sum(eye * cvec[b * 128:(b + 1) * 128], axis=1, keepdims=True)
            for b in range(8)
        ]
        cnt = jnp.concatenate(cols, axis=0)
        mean = summed / jnp.maximum(cnt, 1.0)
        out = (
            jnp.dot(mean, wl_ref[...], preferred_element_type=jnp.float32)
            + b_ref[...]
            + jnp.dot(x_ref[...], wr_ref[...],
                      preferred_element_type=jnp.float32)
        )
        if norm_relu:
            nrm = jnp.sqrt(jnp.sum(out * out, axis=-1, keepdims=True))
            out = jax.nn.relu(out / jnp.maximum(nrm, 1e-12))
        o_ref[...] = out
        if fuse_proj:
            xs_ref[...] = jax.nn.relu(
                jnp.dot(out, wp_ref[...],
                        preferred_element_type=jnp.float32) + bp_ref[...])

        @pl.when(pl.program_id(0) == _GRID - 1)
        def _():
            zpad = jnp.zeros((npad, D), jnp.float32)
            o_ref[pl.ds(_BLK - npad, npad), :] = zpad
            if fuse_proj:
                xs_ref[pl.ds(_BLK - npad, npad), :] = zpad

    in_specs = [
        pl.BlockSpec((NC, _BLK, D), lambda i: (0, i, 0)),
        pl.BlockSpec((NC * NS, _BLK), lambda i: (0, i)),
        pl.BlockSpec((_BLK, D), lambda i: (i, 0)),
        pl.BlockSpec((D, D), lambda i: (0, 0)),
        pl.BlockSpec((1, D), lambda i: (0, 0)),
        pl.BlockSpec((D, D), lambda i: (0, 0)),
    ]
    args = [partials, cnt32, x, WlT, bl.reshape(1, D), WrT]
    out_shape = jax.ShapeDtypeStruct((NP, D), jnp.float32)
    out_specs = pl.BlockSpec((_BLK, D), lambda i: (i, 0))
    if fuse_proj:
        in_specs += [pl.BlockSpec((D, D), lambda i: (0, 0)),
                     pl.BlockSpec((1, D), lambda i: (0, 0))]
        args += [WpT, bp.reshape(1, D)]
        return pl.pallas_call(
            body, grid=(_GRID,), in_specs=in_specs,
            out_specs=(out_specs, out_specs),
            out_shape=(out_shape, out_shape),
        )(*args)
    return pl.pallas_call(
        body, grid=(_GRID,), in_specs=in_specs,
        out_specs=out_specs, out_shape=out_shape,
    )(*args)


def kernel(x, edge_index, c0_Wp, c0_bp, c0_Wl, c0_bl, c0_Wr,
           c1_Wp, c1_bp, c1_Wl, c1_bl, c1_Wr, o_Wl, o_bl, o_Wr):
    src = edge_index[0]
    dst = edge_index[1]
    pad_iota = jnp.arange(EP - E, dtype=jnp.int32)
    src2d = jnp.concatenate(
        [src, N + pad_iota % (NP - N)]).reshape(GP_TOT, GROUP)
    dst_pad = jnp.concatenate([dst, pad_iota % NP])
    dst2d = dst_pad.reshape(GP_TOT, GROUP)

    zrows = jnp.zeros((GROUP, D), jnp.float32)
    x_p = jnp.concatenate([x, jnp.zeros((NP - N, D), jnp.float32)])

    xs0 = _tc_proj(x_p, c0_Wp.T, c0_bp)
    p0, cnt32 = _sc_segsum(xs0, src2d, dst2d, zrows, with_counts=True)
    p0 = p0.reshape(NC, NP, D)
    h1, xs1 = _tc_post(p0, cnt32, x_p, c0_Wl.T, c0_bl, c0_Wr.T, True,
                       c1_Wp.T, c1_bp)
    p1 = _sc_segsum(xs1, src2d, dst2d, zrows).reshape(NC, NP, D)
    h2 = _tc_post(p1, cnt32, h1, c1_Wl.T, c1_bl, c1_Wr.T, True)

    p2 = _sc_segsum(h2, src2d, dst2d, zrows).reshape(NC, NP, D)
    out = _tc_post(p2, cnt32, h2, o_Wl.T, o_bl, o_Wr.T, False)
    return out[:N]

# --- scband reference (transcript-rebuilt; emitter-appended) ---
"""Pipeline reference for scband-gnn-45835890983353 (READ-ONLY COPY).

The authoritative reference and input builder live on the scoring server;
editing this copy changes nothing except your own understanding.
"""

import jax, jax.numpy as jnp
import numpy as np

N = 10000
D = 128
E = 320000


def _sage_conv(x, src, dst, Wl, bl, Wr, Wp=None, bp=None, normalize=False):
    # PyG SAGEConv with aggr='mean', root_weight=True.
    # project=True: source features projected + relu BEFORE aggregation;
    # root term uses the ORIGINAL (unprojected) x.
    xs = x
    if Wp is not None:
        xs = jax.nn.relu(x @ Wp.T + bp)
    msgs = jnp.take(xs, src, axis=0)
    summed = jax.ops.segment_sum(msgs, dst, num_segments=N)
    cnt = jax.ops.segment_sum(jnp.ones((src.shape[0], 1), dtype=x.dtype), dst, num_segments=N)
    mean = summed / jnp.clip(cnt, 1.0)
    out = mean @ Wl.T + bl + x @ Wr.T
    if normalize:
        nrm = jnp.linalg.norm(out, ord=2, axis=-1, keepdims=True)
        out = out / jnp.clip(nrm, 1e-12)
    return out


def setup_inputs(seed: int = 0) -> dict:
    key = jax.random.key(seed)
    ks = jax.random.split(key, 16)
    s = 1.0 / np.sqrt(D)
    inp = {}
    inp["x"] = jax.random.normal(ks[0], (N, D), dtype=jnp.float32)
    inp["edge_index"] = jax.random.randint(ks[1], (2, E), 0, N, dtype=jnp.int32)
    # conv 0 (project=True, normalize=True)
    inp["c0_Wp"] = jax.random.uniform(ks[2], (D, D), jnp.float32, -s, s)
    inp["c0_bp"] = jax.random.uniform(ks[3], (D,), jnp.float32, -s, s)
    inp["c0_Wl"] = jax.random.uniform(ks[4], (D, D), jnp.float32, -s, s)
    inp["c0_bl"] = jax.random.uniform(ks[5], (D,), jnp.float32, -s, s)
    inp["c0_Wr"] = jax.random.uniform(ks[6], (D, D), jnp.float32, -s, s)
    # conv 1 (project=True, normalize=True)
    inp["c1_Wp"] = jax.random.uniform(ks[7], (D, D), jnp.float32, -s, s)
    inp["c1_bp"] = jax.random.uniform(ks[8], (D,), jnp.float32, -s, s)
    inp["c1_Wl"] = jax.random.uniform(ks[9], (D, D), jnp.float32, -s, s)
    inp["c1_bl"] = jax.random.uniform(ks[10], (D,), jnp.float32, -s, s)
    inp["c1_Wr"] = jax.random.uniform(ks[11], (D, D), jnp.float32, -s, s)
    # out conv (project=False, normalize=False)
    inp["o_Wl"] = jax.random.uniform(ks[12], (D, D), jnp.float32, -s, s)
    inp["o_bl"] = jax.random.uniform(ks[13], (D,), jnp.float32, -s, s)
    inp["o_Wr"] = jax.random.uniform(ks[14], (D, D), jnp.float32, -s, s)
    return inp


def reference(x, edge_index, c0_Wp, c0_bp, c0_Wl, c0_bl, c0_Wr,
              c1_Wp, c1_bp, c1_Wl, c1_bl, c1_Wr, o_Wl, o_bl, o_Wr):
    src = edge_index[0]
    dst = edge_index[1]
    h = _sage_conv(x, src, dst, c0_Wl, c0_bl, c0_Wr, c0_Wp, c0_bp, normalize=True)
    h = jax.nn.relu(h)
    h = _sage_conv(h, src, dst, c1_Wl, c1_bl, c1_Wr, c1_Wp, c1_bp, normalize=True)
    h = jax.nn.relu(h)
    out = _sage_conv(h, src, dst, o_Wl, o_bl, o_Wr, None, None, normalize=False)
    return out

if __name__ == "__main__":
    import jax
    _d = setup_inputs()
    print(jax.jit(kernel)(*tuple(_d.values())))

</pallas_src>

<mosaic_0001>
#map = affine_map<(d0, d1) -> (0, 0)>
module attributes {stable_mosaic.version = 14 : i64} {
  func.func @k(%arg0: i32, %arg1: i32, %arg2: memref<10240x128xf32, #tpu.memory_space<hbm>>, %arg3: memref<2560x128xi32, #tpu.memory_space<hbm>>, %arg4: memref<2560x128xi32, #tpu.memory_space<hbm>>, %arg5: memref<128x128xf32, #tpu.memory_space<hbm>>, %arg6: memref<20480x128xf32, #tpu.memory_space<hbm>>, %arg7: memref<32x10240xf32, #tpu.memory_space<hbm>>, %arg8: memref<80x128xi32, #tpu.memory_space<vmem>>, %arg9: memref<80x128xi32, #tpu.memory_space<vmem>>, %arg10: memref<128x128xf32, #tpu.memory_space<vmem>>, %arg11: memref<10240x128xf32, #tpu.memory_space<vmem_shared>>, %arg12: memref<!tpu.dma_semaphore, #tpu.memory_space<semaphore_mem>>, %arg13: memref<10240xf32, #tpu.memory_space<vmem>>) attributes {dimension_semantics = [#tpu.dimension_semantics<core_parallel>, #tpu.dimension_semantics<subcore_parallel>], iteration_bounds = array<i64: 2, 16>, scalar_prefetch = 0 : i64, scratch_operands = 6 : i64, tpu.core_type = #tpu.core_type<sc_vector_subcore>, window_params = [{transform_indices = #map}, {transform_indices = #map}, {transform_indices = #map}, {transform_indices = #map}, {transform_indices = #map}, {transform_indices = #map}]} {
    "tpu.region"() ({
      %run_scoped3A = tpu.sem_alloc : memref<!tpu.dma_semaphore, #tpu.memory_space<semaphore_mem>>
      tpu.enqueue_dma source(%arg5 : memref<128x128xf32, #tpu.memory_space<hbm>>) target(%arg10 : memref<128x128xf32, #tpu.memory_space<vmem>>) target_semaphore(%run_scoped3A : memref<!tpu.dma_semaphore, #tpu.memory_space<semaphore_mem>>)
      tpu.wait_dma2 semaphore(%run_scoped3A : memref<!tpu.dma_semaphore, #tpu.memory_space<semaphore_mem>>) src(%arg5 : memref<128x128xf32, #tpu.memory_space<hbm>>) dst(%arg10 : memref<128x128xf32, #tpu.memory_space<vmem>>)
      tpu.yield
    }) : () -> ()
    %mul3A = arith.constant 640 : i32
    %mul3A_0 = arith.muli %arg1, %mul3A : i32
    %add3A = arith.constant 0 : i32
    %add3A_1 = arith.addi %mul3A_0, %add3A : i32
    "tpu.region"() ({
      %run_scoped3A = tpu.sem_alloc : memref<!tpu.dma_semaphore, #tpu.memory_space<semaphore_mem>>
      %dma_start3A = arith.constant 0 : i32
      %dma_start3A_52 = arith.constant 0 : i32
      %dma_start3A_53 = tpu.memref_slice %arg10[%dma_start3A, %dma_start3A_52] : memref<128x128xf32, #tpu.memory_space<vmem>> -> memref<128x128xf32, #tpu.memory_space<vmem>>
      %dma_start3A_54 = arith.constant 0 : i32
      %dma_start3A_55 = tpu.memref_slice %arg11[%add3A_1, %dma_start3A_54] : memref<10240x128xf32, #tpu.memory_space<vmem_shared>> -> memref<128x128xf32, #tpu.memory_space<vmem_shared>>
      %dma_start3A_56 = arith.constant 0 : i32
      %dma_start3A_57 = tpu.memref_slice %arg11[%add3A_1, %dma_start3A_56] : memref<10240x128xf32, #tpu.memory_space<vmem_shared>> -> memref<128x128xf32, #tpu.memory_space<vmem_shared>>
      %dma_start3A_58 = arith.constant 0 : i32
      %dma_start3A_59 = arith.constant 0 : i32
      %dma_start3A_60 = tpu.memref_slice %arg10[%dma_start3A_58, %dma_start3A_59] : memref<128x128xf32, #tpu.memory_space<vmem>> -> memref<128x128xf32, #tpu.memory_space<vmem>>
      tpu.enqueue_dma source(%dma_start3A_60 : memref<128x128xf32, #tpu.memory_space<vmem>>) target(%dma_start3A_57 : memref<128x128xf32, #tpu.memory_space<vmem_shared>>) target_semaphore(%run_scoped3A : memref<!tpu.dma_semaphore, #tpu.memory_space<semaphore_mem>>)
      %dma_wait3A = arith.constant 0 : i32
      %dma_wait3A_61 = arith.constant 0 : i32
      %dma_wait3A_62 = tpu.memref_slice %arg10[%dma_wait3A, %dma_wait3A_61] : memref<128x128xf32, #tpu.memory_space<vmem>> -> memref<128x128xf32, #tpu.memory_space<vmem>>
      %dma_wait3A_63 = arith.constant 0 : i32
      %dma_wait3A_64 = tpu.memref_slice %arg11[%add3A_1, %dma_wait3A_63] : memref<10240x128xf32, #tpu.memory_space<vmem_shared>> -> memref<128x128xf32, #tpu.memory_space<vmem_shared>>
      %dma_wait3A_65 = arith.constant 0 : i32
      %dma_wait3A_66 = tpu.memref_slice %arg11[%add3A_1, %dma_wait3A_65] : memref<10240x128xf32, #tpu.memory_space<vmem_shared>> -> memref<128x128xf32, #tpu.memory_space<vmem_shared>>
      %dma_wait3A_67 = arith.constant 0 : i32
      %dma_wait3A_68 = arith.constant 0 : i32
      %dma_wait3A_69 = tpu.memref_slice %arg10[%dma_wait3A_67, %dma_wait3A_68] : memref<128x128xf32, #tpu.memory_space<vmem>> -> memref<128x128xf32, #tpu.memory_space<vmem>>
      tpu.wait_dma2 semaphore(%run_scoped3A : memref<!tpu.dma_semaphore, #tpu.memory_space<semaphore_mem>>) src(%dma_wait3A_69 : memref<128x128xf32, #tpu.memory_space<vmem>>) dst(%dma_wait3A_66 : memref<128x128xf32, #tpu.memory_space<vmem_shared>>)
      tpu.yield
    }) : () -> ()
    %add3A_2 = arith.constant 128 : i32
    %add3A_3 = arith.addi %mul3A_0, %add3A_2 : i32
    "tpu.region"() ({
      %run_scoped3A = tpu.sem_alloc : memref<!tpu.dma_semaphore, #tpu.memory_space<semaphore_mem>>
      %dma_start3A = arith.constant 0 : i32
      %dma_start3A_52 = arith.constant 0 : i32
      %dma_start3A_53 = tpu.memref_slice %arg10[%dma_start3A, %dma_start3A_52] : memref<128x128xf32, #tpu.memory_space<vmem>> -> memref<128x128xf32, #tpu.memory_space<vmem>>
      %dma_start3A_54 = arith.constant 0 : i32
      %dma_start3A_55 = tpu.memref_slice %arg11[%add3A_3, %dma_start3A_54] : memref<10240x128xf32, #tpu.memory_space<vmem_shared>> -> memref<128x128xf32, #tpu.memory_space<vmem_shared>>
      %dma_start3A_56 = arith.constant 0 : i32
      %dma_start3A_57 = tpu.memref_slice %arg11[%add3A_3, %dma_start3A_56] : memref<10240x128xf32, #tpu.memory_space<vmem_shared>> -> memref<128x128xf32, #tpu.memory_space<vmem_shared>>
      %dma_start3A_58 = arith.constant 0 : i32
      %dma_start3A_59 = arith.constant 0 : i32
      %dma_start3A_60 = tpu.memref_slice %arg10[%dma_start3A_58, %dma_start3A_59] : memref<128x128xf32, #tpu.memory_space<vmem>> -> memref<128x128xf32, #tpu.memory_space<vmem>>
      tpu.enqueue_dma source(%dma_start3A_60 : memref<128x128xf32, #tpu.memory_space<vmem>>) target(%dma_start3A_57 : memref<128x128xf32, #tpu.memory_space<vmem_shared>>) target_semaphore(%run_scoped3A : memref<!tpu.dma_semaphore, #tpu.memory_space<semaphore_mem>>)
      %dma_wait3A = arith.constant 0 : i32
      %dma_wait3A_61 = arith.constant 0 : i32
      %dma_wait3A_62 = tpu.memref_slice %arg10[%dma_wait3A, %dma_wait3A_61] : memref<128x128xf32, #tpu.memory_space<vmem>> -> memref<128x128xf32, #tpu.memory_space<vmem>>
      %dma_wait3A_63 = arith.constant 0 : i32
      %dma_wait3A_64 = tpu.memref_slice %arg11[%add3A_3, %dma_wait3A_63] : memref<10240x128xf32, #tpu.memory_space<vmem_shared>> -> memref<128x128xf32, #tpu.memory_space<vmem_shared>>
      %dma_wait3A_65 = arith.constant 0 : i32
      %dma_wait3A_66 = tpu.memref_slice %arg11[%add3A_3, %dma_wait3A_65] : memref<10240x128xf32, #tpu.memory_space<vmem_shared>> -> memref<128x128xf32, #tpu.memory_space<vmem_shared>>
      %dma_wait3A_67 = arith.constant 0 : i32
      %dma_wait3A_68 = arith.constant 0 : i32
      %dma_wait3A_69 = tpu.memref_slice %arg10[%dma_wait3A_67, %dma_wait3A_68] : memref<128x128xf32, #tpu.memory_space<vmem>> -> memref<128x128xf32, #tpu.memory_space<vmem>>
      tpu.wait_dma2 semaphore(%run_scoped3A : memref<!tpu.dma_semaphore, #tpu.memory_space<semaphore_mem>>) src(%dma_wait3A_69 : memref<128x128xf32, #tpu.memory_space<vmem>>) dst(%dma_wait3A_66 : memref<128x128xf32, #tpu.memory_space<vmem_shared>>)
      tpu.yield
    }) : () -> ()
    %add3A_4 = arith.constant 256 : i32
    %add3A_5 = arith.addi %mul3A_0, %add3A_4 : i32
    "tpu.region"() ({
      %run_scoped3A = tpu.sem_alloc : memref<!tpu.dma_semaphore, #tpu.memory_space<semaphore_mem>>
      %dma_start3A = arith.constant 0 : i32
      %dma_start3A_52 = arith.constant 0 : i32
      %dma_start3A_53 = tpu.memref_slice %arg10[%dma_start3A, %dma_start3A_52] : memref<128x128xf32, #tpu.memory_space<vmem>> -> memref<128x128xf32, #tpu.memory_space<vmem>>
      %dma_start3A_54 = arith.constant 0 : i32
      %dma_start3A_55 = tpu.memref_slice %arg11[%add3A_5, %dma_start3A_54] : memref<10240x128xf32, #tpu.memory_space<vmem_shared>> -> memref<128x128xf32, #tpu.memory_space<vmem_shared>>
      %dma_start3A_56 = arith.constant 0 : i32
      %dma_start3A_57 = tpu.memref_slice %arg11[%add3A_5, %dma_start3A_56] : memref<10240x128xf32, #tpu.memory_space<vmem_shared>> -> memref<128x128xf32, #tpu.memory_space<vmem_shared>>
      %dma_start3A_58 = arith.constant 0 : i32
      %dma_start3A_59 = arith.constant 0 : i32
      %dma_start3A_60 = tpu.memref_slice %arg10[%dma_start3A_58, %dma_start3A_59] : memref<128x128xf32, #tpu.memory_space<vmem>> -> memref<128x128xf32, #tpu.memory_space<vmem>>
      tpu.enqueue_dma source(%dma_start3A_60 : memref<128x128xf32, #tpu.memory_space<vmem>>) target(%dma_start3A_57 : memref<128x128xf32, #tpu.memory_space<vmem_shared>>) target_semaphore(%run_scoped3A : memref<!tpu.dma_semaphore, #tpu.memory_space<semaphore_mem>>)
      %dma_wait3A = arith.constant 0 : i32
      %dma_wait3A_61 = arith.constant 0 : i32
      %dma_wait3A_62 = tpu.memref_slice %arg10[%dma_wait3A, %dma_wait3A_61] : memref<128x128xf32, #tpu.memory_space<vmem>> -> memref<128x128xf32, #tpu.memory_space<vmem>>
      %dma_wait3A_63 = arith.constant 0 : i32
      %dma_wait3A_64 = tpu.memref_slice %arg11[%add3A_5, %dma_wait3A_63] : memref<10240x128xf32, #tpu.memory_space<vmem_shared>> -> memref<128x128xf32, #tpu.memory_space<vmem_shared>>
      %dma_wait3A_65 = arith.constant 0 : i32
      %dma_wait3A_66 = tpu.memref_slice %arg11[%add3A_5, %dma_wait3A_65] : memref<10240x128xf32, #tpu.memory_space<vmem_shared>> -> memref<128x128xf32, #tpu.memory_space<vmem_shared>>
      %dma_wait3A_67 = arith.constant 0 : i32
      %dma_wait3A_68 = arith.constant 0 : i32
      %dma_wait3A_69 = tpu.memref_slice %arg10[%dma_wait3A_67, %dma_wait3A_68] : memref<128x128xf32, #tpu.memory_space<vmem>> -> memref<128x128xf32, #tpu.memory_space<vmem>>
      tpu.wait_dma2 semaphore(%run_scoped3A : memref<!tpu.dma_semaphore, #tpu.memory_space<semaphore_mem>>) src(%dma_wait3A_69 : memref<128x128xf32, #tpu.memory_space<vmem>>) dst(%dma_wait3A_66 : memref<128x128xf32, #tpu.memory_space<vmem_shared>>)
      tpu.yield
    }) : () -> ()
    %add3A_6 = arith.constant 384 : i32
    %add3A_7 = arith.addi %mul3A_0, %add3A_6 : i32
    "tpu.region"() ({
      %run_scoped3A = tpu.sem_alloc : memref<!tpu.dma_semaphore, #tpu.memory_space<semaphore_mem>>
      %dma_start3A = arith.constant 0 : i32
      %dma_start3A_52 = arith.constant 0 : i32
      %dma_start3A_53 = tpu.memref_slice %arg10[%dma_start3A, %dma_start3A_52] : memref<128x128xf32, #tpu.memory_space<vmem>> -> memref<128x128xf32, #tpu.memory_space<vmem>>
      %dma_start3A_54 = arith.constant 0 : i32
      %dma_start3A_55 = tpu.memref_slice %arg11[%add3A_7, %dma_start3A_54] : memref<10240x128xf32, #tpu.memory_space<vmem_shared>> -> memref<128x128xf32, #tpu.memory_space<vmem_shared>>
      %dma_start3A_56 = arith.constant 0 : i32
      %dma_start3A_57 = tpu.memref_slice %arg11[%add3A_7, %dma_start3A_56] : memref<10240x128xf32, #tpu.memory_space<vmem_shared>> -> memref<128x128xf32, #tpu.memory_space<vmem_shared>>
      %dma_start3A_58 = arith.constant 0 : i32
      %dma_start3A_59 = arith.constant 0 : i32
      %dma_start3A_60 = tpu.memref_slice %arg10[%dma_start3A_58, %dma_start3A_59] : memref<128x128xf32, #tpu.memory_space<vmem>> -> memref<128x128xf32, #tpu.memory_space<vmem>>
      tpu.enqueue_dma source(%dma_start3A_60 : memref<128x128xf32, #tpu.memory_space<vmem>>) target(%dma_start3A_57 : memref<128x128xf32, #tpu.memory_space<vmem_shared>>) target_semaphore(%run_scoped3A : memref<!tpu.dma_semaphore, #tpu.memory_space<semaphore_mem>>)
      %dma_wait3A = arith.constant 0 : i32
      %dma_wait3A_61 = arith.constant 0 : i32
      %dma_wait3A_62 = tpu.memref_slice %arg10[%dma_wait3A, %dma_wait3A_61] : memref<128x128xf32, #tpu.memory_space<vmem>> -> memref<128x128xf32, #tpu.memory_space<vmem>>
      %dma_wait3A_63 = arith.constant 0 : i32
      %dma_wait3A_64 = tpu.memref_slice %arg11[%add3A_7, %dma_wait3A_63] : memref<10240x128xf32, #tpu.memory_space<vmem_shared>> -> memref<128x128xf32, #tpu.memory_space<vmem_shared>>
      %dma_wait3A_65 = arith.constant 0 : i32
      %dma_wait3A_66 = tpu.memref_slice %arg11[%add3A_7, %dma_wait3A_65] : memref<10240x128xf32, #tpu.memory_space<vmem_shared>> -> memref<128x128xf32, #tpu.memory_space<vmem_shared>>
      %dma_wait3A_67 = arith.constant 0 : i32
      %dma_wait3A_68 = arith.constant 0 : i32
      %dma_wait3A_69 = tpu.memref_slice %arg10[%dma_wait3A_67, %dma_wait3A_68] : memref<128x128xf32, #tpu.memory_space<vmem>> -> memref<128x128xf32, #tpu.memory_space<vmem>>
      tpu.wait_dma2 semaphore(%run_scoped3A : memref<!tpu.dma_semaphore, #tpu.memory_space<semaphore_mem>>) src(%dma_wait3A_69 : memref<128x128xf32, #tpu.memory_space<vmem>>) dst(%dma_wait3A_66 : memref<128x128xf32, #tpu.memory_space<vmem_shared>>)
      tpu.yield
    }) : () -> ()
    %add3A_8 = arith.constant 512 : i32
    %add3A_9 = arith.addi %mul3A_0, %add3A_8 : i32
    "tpu.region"() ({
      %run_scoped3A = tpu.sem_alloc : memref<!tpu.dma_semaphore, #tpu.memory_space<semaphore_mem>>
      %dma_start3A = arith.constant 0 : i32
      %dma_start3A_52 = arith.constant 0 : i32
      %dma_start3A_53 = tpu.memref_slice %arg10[%dma_start3A, %dma_start3A_52] : memref<128x128xf32, #tpu.memory_space<vmem>> -> memref<128x128xf32, #tpu.memory_space<vmem>>
      %dma_start3A_54 = arith.constant 0 : i32
      %dma_start3A_55 = tpu.memref_slice %arg11[%add3A_9, %dma_start3A_54] : memref<10240x128xf32, #tpu.memory_space<vmem_shared>> -> memref<128x128xf32, #tpu.memory_space<vmem_shared>>
      %dma_start3A_56 = arith.constant 0 : i32
      %dma_start3A_57 = tpu.memref_slice %arg11[%add3A_9, %dma_start3A_56] : memref<10240x128xf32, #tpu.memory_space<vmem_shared>> -> memref<128x128xf32, #tpu.memory_space<vmem_shared>>
      %dma_start3A_58 = arith.constant 0 : i32
      %dma_start3A_59 = arith.constant 0 : i32
      %dma_start3A_60 = tpu.memref_slice %arg10[%dma_start3A_58, %dma_start3A_59] : memref<128x128xf32, #tpu.memory_space<vmem>> -> memref<128x128xf32, #tpu.memory_space<vmem>>
      tpu.enqueue_dma source(%dma_start3A_60 : memref<128x128xf32, #tpu.memory_space<vmem>>) target(%dma_start3A_57 : memref<128x128xf32, #tpu.memory_space<vmem_shared>>) target_semaphore(%run_scoped3A : memref<!tpu.dma_semaphore, #tpu.memory_space<semaphore_mem>>)
      %dma_wait3A = arith.constant 0 : i32
      %dma_wait3A_61 = arith.constant 0 : i32
      %dma_wait3A_62 = tpu.memref_slice %arg10[%dma_wait3A, %dma_wait3A_61] : memref<128x128xf32, #tpu.memory_space<vmem>> -> memref<128x128xf32, #tpu.memory_space<vmem>>
      %dma_wait3A_63 = arith.constant 0 : i32
      %dma_wait3A_64 = tpu.memref_slice %arg11[%add3A_9, %dma_wait3A_63] : memref<10240x128xf32, #tpu.memory_space<vmem_shared>> -> memref<128x128xf32, #tpu.memory_space<vmem_shared>>
      %dma_wait3A_65 = arith.constant 0 : i32
      %dma_wait3A_66 = tpu.memref_slice %arg11[%add3A_9, %dma_wait3A_65] : memref<10240x128xf32, #tpu.memory_space<vmem_shared>> -> memref<128x128xf32, #tpu.memory_space<vmem_shared>>
      %dma_wait3A_67 = arith.constant 0 : i32
      %dma_wait3A_68 = arith.constant 0 : i32
      %dma_wait3A_69 = tpu.memref_slice %arg10[%dma_wait3A_67, %dma_wait3A_68] : memref<128x128xf32, #tpu.memory_space<vmem>> -> memref<128x128xf32, #tpu.memory_space<vmem>>
      tpu.wait_dma2 semaphore(%run_scoped3A : memref<!tpu.dma_semaphore, #tpu.memory_space<semaphore_mem>>) src(%dma_wait3A_69 : memref<128x128xf32, #tpu.memory_space<vmem>>) dst(%dma_wait3A_66 : memref<128x128xf32, #tpu.memory_space<vmem_shared>>)
      tpu.yield
    }) : () -> ()
    %mul3A_10 = arith.constant 1280 : i32
    %mul3A_11 = arith.muli %arg0, %mul3A_10 : i32
    %mul3A_12 = arith.constant 80 : i32
    %mul3A_13 = arith.muli %arg1, %mul3A_12 : i32
    %add3A_14 = arith.addi %mul3A_11, %mul3A_13 : i32
    "tpu.region"() ({
      %run_scoped3A = tpu.sem_alloc : memref<!tpu.dma_semaphore, #tpu.memory_space<semaphore_mem>>
      %dma_start3A = arith.constant 0 : i32
      %dma_start3A_52 = tpu.memref_slice %arg3[%add3A_14, %dma_start3A] : memref<2560x128xi32, #tpu.memory_space<hbm>> -> memref<80x128xi32, #tpu.memory_space<hbm>>
      %dma_start3A_53 = arith.constant 0 : i32
      %dma_start3A_54 = tpu.memref_slice %arg3[%add3A_14, %dma_start3A_53] : memref<2560x128xi32, #tpu.memory_space<hbm>> -> memref<80x128xi32, #tpu.memory_space<hbm>>
      tpu.enqueue_dma source(%dma_start3A_54 : memref<80x128xi32, #tpu.memory_space<hbm>>) target(%arg8 : memref<80x128xi32, #tpu.memory_space<vmem>>) target_semaphore(%run_scoped3A : memref<!tpu.dma_semaphore, #tpu.memory_space<semaphore_mem>>)
      %dma_wait3A = arith.constant 0 : i32
      %dma_wait3A_55 = tpu.memref_slice %arg3[%add3A_14, %dma_wait3A] : memref<2560x128xi32, #tpu.memory_space<hbm>> -> memref<80x128xi32, #tpu.memory_space<hbm>>
      %dma_wait3A_56 = arith.constant 0 : i32
      %dma_wait3A_57 = tpu.memref_slice %arg3[%add3A_14, %dma_wait3A_56] : memref<2560x128xi32, #tpu.memory_space<hbm>> -> memref<80x128xi32, #tpu.memory_space<hbm>>
      tpu.wait_dma2 semaphore(%run_scoped3A : memref<!tpu.dma_semaphore, #tpu.memory_space<semaphore_mem>>) src(%dma_wait3A_57 : memref<80x128xi32, #tpu.memory_space<hbm>>) dst(%arg8 : memref<80x128xi32, #tpu.memory_space<vmem>>)
      tpu.yield
    }) : () -> ()
    "tpu.region"() ({
      %run_scoped3A = tpu.sem_alloc : memref<!tpu.dma_semaphore, #tpu.memory_space<semaphore_mem>>
      %dma_start3A = arith.constant 0 : i32
      %dma_start3A_52 = tpu.memref_slice %arg4[%add3A_14, %dma_start3A] : memref<2560x128xi32, #tpu.memory_space<hbm>> -> memref<80x128xi32, #tpu.memory_space<hbm>>
      %dma_start3A_53 = arith.constant 0 : i32
      %dma_start3A_54 = tpu.memref_slice %arg4[%add3A_14, %dma_start3A_53] : memref<2560x128xi32, #tpu.memory_space<hbm>> -> memref<80x128xi32, #tpu.memory_space<hbm>>
      tpu.enqueue_dma source(%dma_start3A_54 : memref<80x128xi32, #tpu.memory_space<hbm>>) target(%arg9 : memref<80x128xi32, #tpu.memory_space<vmem>>) target_semaphore(%run_scoped3A : memref<!tpu.dma_semaphore, #tpu.memory_space<semaphore_mem>>)
      %dma_wait3A = arith.constant 0 : i32
      %dma_wait3A_55 = tpu.memref_slice %arg4[%add3A_14, %dma_wait3A] : memref<2560x128xi32, #tpu.memory_space<hbm>> -> memref<80x128xi32, #tpu.memory_space<hbm>>
      %dma_wait3A_56 = arith.constant 0 : i32
      %dma_wait3A_57 = tpu.memref_slice %arg4[%add3A_14, %dma_wait3A_56] : memref<2560x128xi32, #tpu.memory_space<hbm>> -> memref<80x128xi32, #tpu.memory_space<hbm>>
      tpu.wait_dma2 semaphore(%run_scoped3A : memref<!tpu.dma_semaphore, #tpu.memory_space<semaphore_mem>>) src(%dma_wait3A_57 : memref<80x128xi32, #tpu.memory_space<hbm>>) dst(%arg9 : memref<80x128xi32, #tpu.memory_space<vmem>>)
      tpu.yield
    }) : () -> ()
    %barrier3A = arith.constant 0 : index
    tpu.barrier barrier_id(%barrier3A)
    %scan3A = arith.constant 0 : i32
    %scan3A_15 = arith.constant 80 : i32
    %scan3A_16 = arith.addi %scan3A, %scan3A_15 : i32
    %scan3A_17 = arith.constant 1 : i32
    scf.for %scan3A_52 = %scan3A to %scan3A_16 step %scan3A_17  : i32 {
      %mul3A_53 = arith.constant 1 : i32
      %mul3A_54 = arith.muli %scan3A_52, %mul3A_53 : i32
      %add3A_55 = arith.constant 0 : i32
      %add3A_56 = arith.addi %add3A_55, %mul3A_54 : i32
      %dma_start3A = arith.constant 0 : i32
      %dma_start3A_57 = tpu.memref_slice %arg8[%add3A_56, %dma_start3A] : memref<80x128xi32, #tpu.memory_space<vmem>> -> memref<1x128xi32, #tpu.memory_space<vmem>>
      %dma_start3A_58 = tpu.memref_squeeze %dma_start3A_57 : memref<1x128xi32, #tpu.memory_space<vmem>> -> memref<128xi32, #tpu.memory_space<vmem>>
      %dma_start3A_59 = arith.constant 0 : i32
      %dma_start3A_60 = arith.constant 0 : i32
      %dma_start3A_61 = tpu.memref_slice %arg2[%dma_start3A_59, %dma_start3A_60] : memref<10240x128xf32, #tpu.memory_space<hbm>> -> memref<10240x128xf32, #tpu.memory_space<hbm>>
      tpu.enqueue_indirect_dma source(%dma_start3A_61 : memref<10240x128xf32, #tpu.memory_space<hbm>>) target(%arg10 : memref<128x128xf32, #tpu.memory_space<vmem>>) offsets(%dma_start3A_58 : memref<128xi32, #tpu.memory_space<vmem>>) semaphore(%arg12 : memref<!tpu.dma_semaphore, #tpu.memory_space<semaphore_mem>>)
      %dma_wait3A = arith.constant 0 : i32
      %dma_wait3A_62 = tpu.memref_slice %arg8[%add3A_56, %dma_wait3A] : memref<80x128xi32, #tpu.memory_space<vmem>> -> memref<1x128xi32, #tpu.memory_space<vmem>>
      %dma_wait3A_63 = tpu.memref_squeeze %dma_wait3A_62 : memref<1x128xi32, #tpu.memory_space<vmem>> -> memref<128xi32, #tpu.memory_space<vmem>>
      %dma_wait3A_64 = arith.constant 0 : i32
      %dma_wait3A_65 = arith.constant 0 : i32
      %dma_wait3A_66 = tpu.memref_slice %arg2[%dma_wait3A_64, %dma_wait3A_65] : memref<10240x128xf32, #tpu.memory_space<hbm>> -> memref<10240x128xf32, #tpu.memory_space<hbm>>
      tpu.wait_indirect_dma semaphore(%arg12 : memref<!tpu.dma_semaphore, #tpu.memory_space<semaphore_mem>>) src(%dma_wait3A_66 : memref<10240x128xf32, #tpu.memory_space<hbm>>) dst(%arg10 : memref<128x128xf32, #tpu.memory_space<vmem>>)
      "tpu.region"() ({
        %run_scoped3A = tpu.sem_alloc : memref<!tpu.dma_semaphore, #tpu.memory_space<semaphore_mem>>
        %dma_start3A_67 = arith.constant 0 : i32
        %dma_start3A_68 = tpu.memref_slice %arg9[%add3A_56, %dma_start3A_67] : memref<80x128xi32, #tpu.memory_space<vmem>> -> memref<1x128xi32, #tpu.memory_space<vmem>>
        %dma_start3A_69 = tpu.memref_squeeze %dma_start3A_68 : memref<1x128xi32, #tpu.memory_space<vmem>> -> memref<128xi32, #tpu.memory_space<vmem>>
        %dma_start3A_70 = arith.constant 0 : i32
        %dma_start3A_71 = arith.constant 0 : i32
        %dma_start3A_72 = tpu.memref_slice %arg11[%dma_start3A_70, %dma_start3A_71] : memref<10240x128xf32, #tpu.memory_space<vmem_shared>> -> memref<10240x128xf32, #tpu.memory_space<vmem_shared>>
        tpu.enqueue_indirect_dma source(%arg10 : memref<128x128xf32, #tpu.memory_space<vmem>>) target(%dma_start3A_72 : memref<10240x128xf32, #tpu.memory_space<vmem_shared>>) offsets(%dma_start3A_69 : memref<128xi32, #tpu.memory_space<vmem>>) semaphore(%run_scoped3A : memref<!tpu.dma_semaphore, #tpu.memory_space<semaphore_mem>>) {add = true}
        %dma_wait3A_73 = arith.constant 0 : i32
        %dma_wait3A_74 = tpu.memref_slice %arg9[%add3A_56, %dma_wait3A_73] : memref<80x128xi32, #tpu.memory_space<vmem>> -> memref<1x128xi32, #tpu.memory_space<vmem>>
        %dma_wait3A_75 = tpu.memref_squeeze %dma_wait3A_74 : memref<1x128xi32, #tpu.memory_space<vmem>> -> memref<128xi32, #tpu.memory_space<vmem>>
        %dma_wait3A_76 = arith.constant 0 : i32
        %dma_wait3A_77 = arith.constant 0 : i32
        %dma_wait3A_78 = tpu.memref_slice %arg11[%dma_wait3A_76, %dma_wait3A_77] : memref<10240x128xf32, #tpu.memory_space<vmem_shared>> -> memref<10240x128xf32, #tpu.memory_space<vmem_shared>>
        tpu.wait_indirect_dma semaphore(%run_scoped3A : memref<!tpu.dma_semaphore, #tpu.memory_space<semaphore_mem>>) src(%arg10 : memref<128x128xf32, #tpu.memory_space<vmem>>) dst(%dma_wait3A_78 : memref<10240x128xf32, #tpu.memory_space<vmem_shared>>)
        tpu.yield
      }) : () -> ()
    }
    %scan3A_18 = arith.constant 80 : i32
    %mul3A_19 = arith.constant 16 : i32
    %mul3A_20 = arith.muli %arg0, %mul3A_19 : i32
    %add3A_21 = arith.addi %mul3A_20, %arg1 : i32
    %scan3A_22 = arith.constant 0 : i32
    %scan3A_23 = arith.constant 640 : i32
    %scan3A_24 = arith.addi %scan3A_22, %scan3A_23 : i32
    %scan3A_25 = arith.constant 1 : i32
    scf.for %scan3A_52 = %scan3A_22 to %scan3A_24 step %scan3A_25  : i32 {
      %mul3A_53 = arith.constant 16 : i32
      %mul3A_54 = arith.muli %scan3A_52, %mul3A_53 : i32
      %add3A_55 = arith.constant 0 : i32
      %add3A_56 = arith.addi %add3A_55, %mul3A_54 : i32
      %broadcast_in_dim3A_57 = arith.constant 0.000000e+00 : f32
      %broadcast_in_dim3A_58 = vector.broadcast %broadcast_in_dim3A_57 : f32 to vector<16xf32>
      %swap3A = arith.index_cast %add3A_56 : i32 to index
      %swap3A_59 = tpu.vector_load %arg13[%swap3A] {strides = array<i32>} : memref<10240xf32, #tpu.memory_space<vmem>>, vector<16xf32>,
      tpu.vector_store %arg13[%swap3A], %broadcast_in_dim3A_58 {strides = array<i32>} : memref<10240xf32, #tpu.memory_space<vmem>>, vector<16xf32>,
    }
    %scan3A_26 = arith.constant 640 : i32
    %sub3A = arith.constant 2500 : i32
    %sub3A_27 = arith.subi %sub3A, %add3A_14 : i32
    %max3A = arith.constant 0 : i32
    %max3A_28 = arith.maxsi %sub3A_27, %max3A : i32
    %min3A = arith.constant 80 : i32
    %min3A_29 = arith.minsi %max3A_28, %min3A : i32
    %broadcast_in_dim3A = arith.constant 1.000000e+00 : f32
    %broadcast_in_dim3A_30 = vector.broadcast %broadcast_in_dim3A : f32 to vector<16xf32>
    %sub3A_31 = arith.constant 0 : i32
    %sub3A_32 = arith.subi %min3A_29, %sub3A_31 : i32
    %sub3A_33 = arith.constant 1 : i32
    %sub3A_34 = arith.constant 1 : i32
    %sub3A_35 = arith.subi %sub3A_33, %sub3A_34 : i32
    %add3A_36 = arith.addi %sub3A_32, %sub3A_35 : i32
    %div3A = arith.constant 1 : i32
    %div3A_37 = arith.divsi %add3A_36, %div3A : i32
    %while3A = arith.constant 1 : i32
    %while3A_38 = arith.constant 0 : i32
    %while3A_39 = arith.constant 0 : i32
    %while3A_40 = arith.subi %div3A_37, %while3A_39 : i32
    %while3A_41 = arith.addi %while3A_39, %while3A_40 : i32
    %while3A_42 = arith.constant 1 : i32
    %while3A_43 = arith.divsi %while3A_40, %while3A_42 : i32
    %while3A_44 = arith.muli %while3A_43, %while3A_42 : i32
    %while3A_45 = arith.addi %while3A_39, %while3A_44 : i32
    %while3A_46 = arith.constant 1 : i32
    scf.for %while3A_52 = %while3A_39 to %while3A_45 step %while3A_46  : i32 {
      %mul3A_53 = arith.muli %while3A_52, %while3A : i32
      %add3A_54 = arith.addi %while3A_38, %mul3A_53 : i32
      %get3A = arith.index_cast %add3A_54 : i32 to index
      %get3A_55 = arith.constant 0 : index
      %get3A_56 = tpu.vector_load %arg9[%get3A, %get3A_55] {strides = array<i32>} : memref<80x128xi32, #tpu.memory_space<vmem>>, vector<16xi32>,
      tpu.vector_store_idx %arg13[%get3A_56], %broadcast_in_dim3A_30 {add = true} : memref<10240xf32, #tpu.memory_space<vmem>>[vector<16xi32>], vector<16xf32>,
      %get3A_57 = arith.index_cast %add3A_54 : i32 to index
      %get3A_58 = arith.constant 16 : index
      %get3A_59 = tpu.vector_load %arg9[%get3A_57, %get3A_58] {strides = array<i32>} : memref<80x128xi32, #tpu.memory_space<vmem>>, vector<16xi32>,
      tpu.vector_store_idx %arg13[%get3A_59], %broadcast_in_dim3A_30 {add = true} : memref<10240xf32, #tpu.memory_space<vmem>>[vector<16xi32>], vector<16xf32>,
      %get3A_60 = arith.index_cast %add3A_54 : i32 to index
      %get3A_61 = arith.constant 32 : index
      %get3A_62 = tpu.vector_load %arg9[%get3A_60, %get3A_61] {strides = array<i32>} : memref<80x128xi32, #tpu.memory_space<vmem>>, vector<16xi32>,
      tpu.vector_store_idx %arg13[%get3A_62], %broadcast_in_dim3A_30 {add = true} : memref<10240xf32, #tpu.memory_space<vmem>>[vector<16xi32>], vector<16xf32>,
      %get3A_63 = arith.index_cast %add3A_54 : i32 to index
      %get3A_64 = arith.constant 48 : index
      %get3A_65 = tpu.vector_load %arg9[%get3A_63, %get3A_64] {strides = array<i32>} : memref<80x128xi32, #tpu.memory_space<vmem>>, vector<16xi32>,
      tpu.vector_store_idx %arg13[%get3A_65], %broadcast_in_dim3A_30 {add = true} : memref<10240xf32, #tpu.memory_space<vmem>>[vector<16xi32>], vector<16xf32>,
      %get3A_66 = arith.index_cast %add3A_54 : i32 to index
      %get3A_67 = arith.constant 64 : index
      %get3A_68 = tpu.vector_load %arg9[%get3A_66, %get3A_67] {strides = array<i32>} : memref<80x128xi32, #tpu.memory_space<vmem>>, vector<16xi32>,
      tpu.vector_store_idx %arg13[%get3A_68], %broadcast_in_dim3A_30 {add = true} : memref<10240xf32, #tpu.memory_space<vmem>>[vector<16xi32>], vector<16xf32>,
      %get3A_69 = arith.index_cast %add3A_54 : i32 to index
      %get3A_70 = arith.constant 80 : index
      %get3A_71 = tpu.vector_load %arg9[%get3A_69, %get3A_70] {strides = array<i32>} : memref<80x128xi32, #tpu.memory_space<vmem>>, vector<16xi32>,
      tpu.vector_store_idx %arg13[%get3A_71], %broadcast_in_dim3A_30 {add = true} : memref<10240xf32, #tpu.memory_space<vmem>>[vector<16xi32>], vector<16xf32>,
      %get3A_72 = arith.index_cast %add3A_54 : i32 to index
      %get3A_73 = arith.constant 96 : index
      %get3A_74 = tpu.vector_load %arg9[%get3A_72, %get3A_73] {strides = array<i32>} : memref<80x128xi32, #tpu.memory_space<vmem>>, vector<16xi32>,
      tpu.vector_store_idx %arg13[%get3A_74], %broadcast_in_dim3A_30 {add = true} : memref<10240xf32, #tpu.memory_space<vmem>>[vector<16xi32>], vector<16xf32>,
      %get3A_75 = arith.index_cast %add3A_54 : i32 to index
      %get3A_76 = arith.constant 112 : index
      %get3A_77 = tpu.vector_load %arg9[%get3A_75, %get3A_76] {strides = array<i32>} : memref<80x128xi32, #tpu.memory_space<vmem>>, vector<16xi32>,
      tpu.vector_store_idx %arg13[%get3A_77], %broadcast_in_dim3A_30 {add = true} : memref<10240xf32, #tpu.memory_space<vmem>>[vector<16xi32>], vector<16xf32>,
    }
    %while3A_47 = arith.constant 1 : i32
    scf.for %while3A_52 = %while3A_45 to %while3A_41 step %while3A_47  : i32 {
      %mul3A_53 = arith.muli %while3A_52, %while3A : i32
      %add3A_54 = arith.addi %while3A_38, %mul3A_53 : i32
      %get3A = arith.index_cast %add3A_54 : i32 to index
      %get3A_55 = arith.constant 0 : index
      %get3A_56 = tpu.vector_load %arg9[%get3A, %get3A_55] {strides = array<i32>} : memref<80x128xi32, #tpu.memory_space<vmem>>, vector<16xi32>,
      tpu.vector_store_idx %arg13[%get3A_56], %broadcast_in_dim3A_30 {add = true} : memref<10240xf32, #tpu.memory_space<vmem>>[vector<16xi32>], vector<16xf32>,
      %get3A_57 = arith.index_cast %add3A_54 : i32 to index
      %get3A_58 = arith.constant 16 : index
      %get3A_59 = tpu.vector_load %arg9[%get3A_57, %get3A_58] {strides = array<i32>} : memref<80x128xi32, #tpu.memory_space<vmem>>, vector<16xi32>,
      tpu.vector_store_idx %arg13[%get3A_59], %broadcast_in_dim3A_30 {add = true} : memref<10240xf32, #tpu.memory_space<vmem>>[vector<16xi32>], vector<16xf32>,
      %get3A_60 = arith.index_cast %add3A_54 : i32 to index
      %get3A_61 = arith.constant 32 : index
      %get3A_62 = tpu.vector_load %arg9[%get3A_60, %get3A_61] {strides = array<i32>} : memref<80x128xi32, #tpu.memory_space<vmem>>, vector<16xi32>,
      tpu.vector_store_idx %arg13[%get3A_62], %broadcast_in_dim3A_30 {add = true} : memref<10240xf32, #tpu.memory_space<vmem>>[vector<16xi32>], vector<16xf32>,
      %get3A_63 = arith.index_cast %add3A_54 : i32 to index
      %get3A_64 = arith.constant 48 : index
      %get3A_65 = tpu.vector_load %arg9[%get3A_63, %get3A_64] {strides = array<i32>} : memref<80x128xi32, #tpu.memory_space<vmem>>, vector<16xi32>,
      tpu.vector_store_idx %arg13[%get3A_65], %broadcast_in_dim3A_30 {add = true} : memref<10240xf32, #tpu.memory_space<vmem>>[vector<16xi32>], vector<16xf32>,
      %get3A_66 = arith.index_cast %add3A_54 : i32 to index
      %get3A_67 = arith.constant 64 : index
      %get3A_68 = tpu.vector_load %arg9[%get3A_66, %get3A_67] {strides = array<i32>} : memref<80x128xi32, #tpu.memory_space<vmem>>, vector<16xi32>,
      tpu.vector_store_idx %arg13[%get3A_68], %broadcast_in_dim3A_30 {add = true} : memref<10240xf32, #tpu.memory_space<vmem>>[vector<16xi32>], vector<16xf32>,
      %get3A_69 = arith.index_cast %add3A_54 : i32 to index
      %get3A_70 = arith.constant 80 : index
      %get3A_71 = tpu.vector_load %arg9[%get3A_69, %get3A_70] {strides = array<i32>} : memref<80x128xi32, #tpu.memory_space<vmem>>, vector<16xi32>,
      tpu.vector_store_idx %arg13[%get3A_71], %broadcast_in_dim3A_30 {add = true} : memref<10240xf32, #tpu.memory_space<vmem>>[vector<16xi32>], vector<16xf32>,
      %get3A_72 = arith.index_cast %add3A_54 : i32 to index
      %get3A_73 = arith.constant 96 : index
      %get3A_74 = tpu.vector_load %arg9[%get3A_72, %get3A_73] {strides = array<i32>} : memref<80x128xi32, #tpu.memory_space<vmem>>, vector<16xi32>,
      tpu.vector_store_idx %arg13[%get3A_74], %broadcast_in_dim3A_30 {add = true} : memref<10240xf32, #tpu.memory_space<vmem>>[vector<16xi32>], vector<16xf32>,
      %get3A_75 = arith.index_cast %add3A_54 : i32 to index
      %get3A_76 = arith.constant 112 : index
      %get3A_77 = tpu.vector_load %arg9[%get3A_75, %get3A_76] {strides = array<i32>} : memref<80x128xi32, #tpu.memory_space<vmem>>, vector<16xi32>,
      tpu.vector_store_idx %arg13[%get3A_77], %broadcast_in_dim3A_30 {add = true} : memref<10240xf32, #tpu.memory_space<vmem>>[vector<16xi32>], vector<16xf32>,
    }
    "tpu.region"() ({
      %run_scoped3A = tpu.sem_alloc : memref<!tpu.dma_semaphore, #tpu.memory_space<semaphore_mem>>
      %dma_start3A = arith.constant 0 : i32
      %dma_start3A_52 = tpu.memref_slice %arg7[%add3A_21, %dma_start3A] : memref<32x10240xf32, #tpu.memory_space<hbm>> -> memref<1x10240xf32, #tpu.memory_space<hbm>>
      %dma_start3A_53 = tpu.memref_squeeze %dma_start3A_52 : memref<1x10240xf32, #tpu.memory_space<hbm>> -> memref<10240xf32, #tpu.memory_space<hbm>>
      %dma_start3A_54 = arith.constant 0 : i32
      %dma_start3A_55 = tpu.memref_slice %arg7[%add3A_21, %dma_start3A_54] : memref<32x10240xf32, #tpu.memory_space<hbm>> -> memref<1x10240xf32, #tpu.memory_space<hbm>>
      %dma_start3A_56 = tpu.memref_squeeze %dma_start3A_55 : memref<1x10240xf32, #tpu.memory_space<hbm>> -> memref<10240xf32, #tpu.memory_space<hbm>>
      tpu.enqueue_dma source(%arg13 : memref<10240xf32, #tpu.memory_space<vmem>>) target(%dma_start3A_56 : memref<10240xf32, #tpu.memory_space<hbm>>) target_semaphore(%run_scoped3A : memref<!tpu.dma_semaphore, #tpu.memory_space<semaphore_mem>>)
      %dma_wait3A = arith.constant 0 : i32
      %dma_wait3A_57 = tpu.memref_slice %arg7[%add3A_21, %dma_wait3A] : memref<32x10240xf32, #tpu.memory_space<hbm>> -> memref<1x10240xf32, #tpu.memory_space<hbm>>
      %dma_wait3A_58 = tpu.memref_squeeze %dma_wait3A_57 : memref<1x10240xf32, #tpu.memory_space<hbm>> -> memref<10240xf32, #tpu.memory_space<hbm>>
      %dma_wait3A_59 = arith.constant 0 : i32
      %dma_wait3A_60 = tpu.memref_slice %arg7[%add3A_21, %dma_wait3A_59] : memref<32x10240xf32, #tpu.memory_space<hbm>> -> memref<1x10240xf32, #tpu.memory_space<hbm>>
      %dma_wait3A_61 = tpu.memref_squeeze %dma_wait3A_60 : memref<1x10240xf32, #tpu.memory_space<hbm>> -> memref<10240xf32, #tpu.memory_space<hbm>>
      tpu.wait_dma2 semaphore(%run_scoped3A : memref<!tpu.dma_semaphore, #tpu.memory_space<semaphore_mem>>) src(%arg13 : memref<10240xf32, #tpu.memory_space<vmem>>) dst(%dma_wait3A_61 : memref<10240xf32, #tpu.memory_space<hbm>>)
      tpu.yield
    }) : () -> ()
    %barrier3A_48 = arith.constant 0 : index
    tpu.barrier barrier_id(%barrier3A_48)
    %mul3A_49 = arith.constant 10240 : i32
    %mul3A_50 = arith.muli %arg0, %mul3A_49 : i32
    %add3A_51 = arith.addi %mul3A_50, %mul3A_0 : i32
    "tpu.region"() ({
      %run_scoped3A = tpu.sem_alloc : memref<!tpu.dma_semaphore, #tpu.memory_space<semaphore_mem>>
      %dma_start3A = arith.constant 0 : i32
      %dma_start3A_52 = tpu.memref_slice %arg6[%add3A_51, %dma_start3A] : memref<20480x128xf32, #tpu.memory_space<hbm>> -> memref<640x128xf32, #tpu.memory_space<hbm>>
      %dma_start3A_53 = arith.constant 0 : i32
      %dma_start3A_54 = tpu.memref_slice %arg11[%mul3A_0, %dma_start3A_53] : memref<10240x128xf32, #tpu.memory_space<vmem_shared>> -> memref<640x128xf32, #tpu.memory_space<vmem_shared>>
      tpu.enqueue_dma source(%dma_start3A_54 : memref<640x128xf32, #tpu.memory_space<vmem_shared>>) target(%dma_start3A_52 : memref<640x128xf32, #tpu.memory_space<hbm>>) target_semaphore(%run_scoped3A : memref<!tpu.dma_semaphore, #tpu.memory_space<semaphore_mem>>)
      %dma_wait3A = arith.constant 0 : i32
      %dma_wait3A_55 = tpu.memref_slice %arg6[%add3A_51, %dma_wait3A] : memref<20480x128xf32, #tpu.memory_space<hbm>> -> memref<640x128xf32, #tpu.memory_space<hbm>>
      %dma_wait3A_56 = arith.constant 0 : i32
      %dma_wait3A_57 = tpu.memref_slice %arg11[%mul3A_0, %dma_wait3A_56] : memref<10240x128xf32, #tpu.memory_space<vmem_shared>> -> memref<640x128xf32, #tpu.memory_space<vmem_shared>>
      tpu.wait_dma2 semaphore(%run_scoped3A : memref<!tpu.dma_semaphore, #tpu.memory_space<semaphore_mem>>) src(%dma_wait3A_57 : memref<640x128xf32, #tpu.memory_space<vmem_shared>>) dst(%dma_wait3A_55 : memref<640x128xf32, #tpu.memory_space<hbm>>)
      tpu.yield
    }) : () -> ()
    return
  }
}

#map = affine_map<(d0, d1) -> (0, 0)>
module attributes {stable_mosaic.version = 14 : i64} {
  func.func @k(%arg0: i32, %arg1: i32, %arg2: memref<10240x128xf32, #tpu.memory_space<hbm>>, %arg3: memref<2560x128xi32, #tpu.memory_space<hbm>>, %arg4: memref<2560x128xi32, #tpu.memory_space<hbm>>, %arg5: memref<128x128xf32, #tpu.memory_space<hbm>>, %arg6: memref<20480x128xf32, #tpu.memory_space<hbm>>, %arg7: memref<80x128xi32, #tpu.memory_space<vmem>>, %arg8: memref<80x128xi32, #tpu.memory_space<vmem>>, %arg9: memref<128x128xf32, #tpu.memory_space<vmem>>, %arg10: memref<10240x128xf32, #tpu.memory_space<vmem_shared>>, %arg11: memref<!tpu.dma_semaphore, #tpu.memory_space<semaphore_mem>>) attributes {dimension_semantics = [#tpu.dimension_semantics<core_parallel>, #tpu.dimension_semantics<subcore_parallel>], iteration_bounds = array<i64: 2, 16>, scalar_prefetch = 0 : i64, scratch_operands = 5 : i64, tpu.core_type = #tpu.core_type<sc_vector_subcore>, window_params = [{transform_indices = #map}, {transform_indices = #map}, {transform_indices = #map}, {transform_indices = #map}, {transform_indices = #map}]} {
    "tpu.region"() ({
      %run_scoped3A = tpu.sem_alloc : memref<!tpu.dma_semaphore, #tpu.memory_space<semaphore_mem>>
      tpu.enqueue_dma source(%arg5 : memref<128x128xf32, #tpu.memory_space<hbm>>) target(%arg9 : memref<128x128xf32, #tpu.memory_space<vmem>>) target_semaphore(%run_scoped3A : memref<!tpu.dma_semaphore, #tpu.memory_space<semaphore_mem>>)
      tpu.wait_dma2 semaphore(%run_scoped3A : memref<!tpu.dma_semaphore, #tpu.memory_space<semaphore_mem>>) src(%arg5 : memref<128x128xf32, #tpu.memory_space<hbm>>) dst(%arg9 : memref<128x128xf32, #tpu.memory_space<vmem>>)
      tpu.yield
    }) : () -> ()
    %mul3A = arith.constant 640 : i32
    %mul3A_0 = arith.muli %arg1, %mul3A : i32
    %add3A = arith.constant 0 : i32
    %add3A_1 = arith.addi %mul3A_0, %add3A : i32
    "tpu.region"() ({
      %run_scoped3A = tpu.sem_alloc : memref<!tpu.dma_semaphore, #tpu.memory_space<semaphore_mem>>
      %dma_start3A = arith.constant 0 : i32
      %dma_start3A_23 = arith.constant 0 : i32
      %dma_start3A_24 = tpu.memref_slice %arg9[%dma_start3A, %dma_start3A_23] : memref<128x128xf32, #tpu.memory_space<vmem>> -> memref<128x128xf32, #tpu.memory_space<vmem>>
      %dma_start3A_25 = arith.constant 0 : i32
      %dma_start3A_26 = tpu.memref_slice %arg10[%add3A_1, %dma_start3A_25] : memref<10240x128xf32, #tpu.memory_space<vmem_shared>> -> memref<128x128xf32, #tpu.memory_space<vmem_shared>>
      %dma_start3A_27 = arith.constant 0 : i32
      %dma_start3A_28 = tpu.memref_slice %arg10[%add3A_1, %dma_start3A_27] : memref<10240x128xf32, #tpu.memory_space<vmem_shared>> -> memref<128x128xf32, #tpu.memory_space<vmem_shared>>
      %dma_start3A_29 = arith.constant 0 : i32
      %dma_start3A_30 = arith.constant 0 : i32
      %dma_start3A_31 = tpu.memref_slice %arg9[%dma_start3A_29, %dma_start3A_30] : memref<128x128xf32, #tpu.memory_space<vmem>> -> memref<128x128xf32, #tpu.memory_space<vmem>>
      tpu.enqueue_dma source(%dma_start3A_31 : memref<128x128xf32, #tpu.memory_space<vmem>>) target(%dma_start3A_28 : memref<128x128xf32, #tpu.memory_space<vmem_shared>>) target_semaphore(%run_scoped3A : memref<!tpu.dma_semaphore, #tpu.memory_space<semaphore_mem>>)
      %dma_wait3A = arith.constant 0 : i32
      %dma_wait3A_32 = arith.constant 0 : i32
      %dma_wait3A_33 = tpu.memref_slice %arg9[%dma_wait3A, %dma_wait3A_32] : memref<128x128xf32, #tpu.memory_space<vmem>> -> memref<128x128xf32, #tpu.memory_space<vmem>>
      %dma_wait3A_34 = arith.constant 0 : i32
      %dma_wait3A_35 = tpu.memref_slice %arg10[%add3A_1, %dma_wait3A_34] : memref<10240x128xf32, #tpu.memory_space<vmem_shared>> -> memref<128x128xf32, #tpu.memory_space<vmem_shared>>
      %dma_wait3A_36 = arith.constant 0 : i32
      %dma_wait3A_37 = tpu.memref_slice %arg10[%add3A_1, %dma_wait3A_36] : memref<10240x128xf32, #tpu.memory_space<vmem_shared>> -> memref<128x128xf32, #tpu.memory_space<vmem_shared>>
      %dma_wait3A_38 = arith.constant 0 : i32
      %dma_wait3A_39 = arith.constant 0 : i32
      %dma_wait3A_40 = tpu.memref_slice %arg9[%dma_wait3A_38, %dma_wait3A_39] : memref<128x128xf32, #tpu.memory_space<vmem>> -> memref<128x128xf32, #tpu.memory_space<vmem>>
      tpu.wait_dma2 semaphore(%run_scoped3A : memref<!tpu.dma_semaphore, #tpu.memory_space<semaphore_mem>>) src(%dma_wait3A_40 : memref<128x128xf32, #tpu.memory_space<vmem>>) dst(%dma_wait3A_37 : memref<128x128xf32, #tpu.memory_space<vmem_shared>>)
      tpu.yield
    }) : () -> ()
    %add3A_2 = arith.constant 128 : i32
    %add3A_3 = arith.addi %mul3A_0, %add3A_2 : i32
    "tpu.region"() ({
      %run_scoped3A = tpu.sem_alloc : memref<!tpu.dma_semaphore, #tpu.memory_space<semaphore_mem>>
      %dma_start3A = arith.constant 0 : i32
      %dma_start3A_23 = arith.constant 0 : i32
      %dma_start3A_24 = tpu.memref_slice %arg9[%dma_start3A, %dma_start3A_23] : memref<128x128xf32, #tpu.memory_space<vmem>> -> memref<128x128xf32, #tpu.memory_space<vmem>>
      %dma_start3A_25 = arith.constant 0 : i32
      %dma_start3A_26 = tpu.memref_slice %arg10[%add3A_3, %dma_start3A_25] : memref<10240x128xf32, #tpu.memory_space<vmem_shared>> -> memref<128x128xf32, #tpu.memory_space<vmem_shared>>
      %dma_start3A_27 = arith.constant 0 : i32
      %dma_start3A_28 = tpu.memref_slice %arg10[%add3A_3, %dma_start3A_27] : memref<10240x128xf32, #tpu.memory_space<vmem_shared>> -> memref<128x128xf32, #tpu.memory_space<vmem_shared>>
      %dma_start3A_29 = arith.constant 0 : i32
      %dma_start3A_30 = arith.constant 0 : i32
      %dma_start3A_31 = tpu.memref_slice %arg9[%dma_start3A_29, %dma_start3A_30] : memref<128x128xf32, #tpu.memory_space<vmem>> -> memref<128x128xf32, #tpu.memory_space<vmem>>
      tpu.enqueue_dma source(%dma_start3A_31 : memref<128x128xf32, #tpu.memory_space<vmem>>) target(%dma_start3A_28 : memref<128x128xf32, #tpu.memory_space<vmem_shared>>) target_semaphore(%run_scoped3A : memref<!tpu.dma_semaphore, #tpu.memory_space<semaphore_mem>>)
      %dma_wait3A = arith.constant 0 : i32
      %dma_wait3A_32 = arith.constant 0 : i32
      %dma_wait3A_33 = tpu.memref_slice %arg9[%dma_wait3A, %dma_wait3A_32] : memref<128x128xf32, #tpu.memory_space<vmem>> -> memref<128x128xf32, #tpu.memory_space<vmem>>
      %dma_wait3A_34 = arith.constant 0 : i32
      %dma_wait3A_35 = tpu.memref_slice %arg10[%add3A_3, %dma_wait3A_34] : memref<10240x128xf32, #tpu.memory_space<vmem_shared>> -> memref<128x128xf32, #tpu.memory_space<vmem_shared>>
      %dma_wait3A_36 = arith.constant 0 : i32
      %dma_wait3A_37 = tpu.memref_slice %arg10[%add3A_3, %dma_wait3A_36] : memref<10240x128xf32, #tpu.memory_space<vmem_shared>> -> memref<128x128xf32, #tpu.memory_space<vmem_shared>>
      %dma_wait3A_38 = arith.constant 0 : i32
      %dma_wait3A_39 = arith.constant 0 : i32
      %dma_wait3A_40 = tpu.memref_slice %arg9[%dma_wait3A_38, %dma_wait3A_39] : memref<128x128xf32, #tpu.memory_space<vmem>> -> memref<128x128xf32, #tpu.memory_space<vmem>>
      tpu.wait_dma2 semaphore(%run_scoped3A : memref<!tpu.dma_semaphore, #tpu.memory_space<semaphore_mem>>) src(%dma_wait3A_40 : memref<128x128xf32, #tpu.memory_space<vmem>>) dst(%dma_wait3A_37 : memref<128x128xf32, #tpu.memory_space<vmem_shared>>)
      tpu.yield
    }) : () -> ()
    %add3A_4 = arith.constant 256 : i32
    %add3A_5 = arith.addi %mul3A_0, %add3A_4 : i32
    "tpu.region"() ({
      %run_scoped3A = tpu.sem_alloc : memref<!tpu.dma_semaphore, #tpu.memory_space<semaphore_mem>>
      %dma_start3A = arith.constant 0 : i32
      %dma_start3A_23 = arith.constant 0 : i32
      %dma_start3A_24 = tpu.memref_slice %arg9[%dma_start3A, %dma_start3A_23] : memref<128x128xf32, #tpu.memory_space<vmem>> -> memref<128x128xf32, #tpu.memory_space<vmem>>
      %dma_start3A_25 = arith.constant 0 : i32
      %dma_start3A_26 = tpu.memref_slice %arg10[%add3A_5, %dma_start3A_25] : memref<10240x128xf32, #tpu.memory_space<vmem_shared>> -> memref<128x128xf32, #tpu.memory_space<vmem_shared>>
      %dma_start3A_27 = arith.constant 0 : i32
      %dma_start3A_28 = tpu.memref_slice %arg10[%add3A_5, %dma_start3A_27] : memref<10240x128xf32, #tpu.memory_space<vmem_shared>> -> memref<128x128xf32, #tpu.memory_space<vmem_shared>>
      %dma_start3A_29 = arith.constant 0 : i32
      %dma_start3A_30 = arith.constant 0 : i32
      %dma_start3A_31 = tpu.memref_slice %arg9[%dma_start3A_29, %dma_start3A_30] : memref<128x128xf32, #tpu.memory_space<vmem>> -> memref<128x128xf32, #tpu.memory_space<vmem>>
      tpu.enqueue_dma source(%dma_start3A_31 : memref<128x128xf32, #tpu.memory_space<vmem>>) target(%dma_start3A_28 : memref<128x128xf32, #tpu.memory_space<vmem_shared>>) target_semaphore(%run_scoped3A : memref<!tpu.dma_semaphore, #tpu.memory_space<semaphore_mem>>)
      %dma_wait3A = arith.constant 0 : i32
      %dma_wait3A_32 = arith.constant 0 : i32
      %dma_wait3A_33 = tpu.memref_slice %arg9[%dma_wait3A, %dma_wait3A_32] : memref<128x128xf32, #tpu.memory_space<vmem>> -> memref<128x128xf32, #tpu.memory_space<vmem>>
      %dma_wait3A_34 = arith.constant 0 : i32
      %dma_wait3A_35 = tpu.memref_slice %arg10[%add3A_5, %dma_wait3A_34] : memref<10240x128xf32, #tpu.memory_space<vmem_shared>> -> memref<128x128xf32, #tpu.memory_space<vmem_shared>>
      %dma_wait3A_36 = arith.constant 0 : i32
      %dma_wait3A_37 = tpu.memref_slice %arg10[%add3A_5, %dma_wait3A_36] : memref<10240x128xf32, #tpu.memory_space<vmem_shared>> -> memref<128x128xf32, #tpu.memory_space<vmem_shared>>
      %dma_wait3A_38 = arith.constant 0 : i32
      %dma_wait3A_39 = arith.constant 0 : i32
      %dma_wait3A_40 = tpu.memref_slice %arg9[%dma_wait3A_38, %dma_wait3A_39] : memref<128x128xf32, #tpu.memory_space<vmem>> -> memref<128x128xf32, #tpu.memory_space<vmem>>
      tpu.wait_dma2 semaphore(%run_scoped3A : memref<!tpu.dma_semaphore, #tpu.memory_space<semaphore_mem>>) src(%dma_wait3A_40 : memref<128x128xf32, #tpu.memory_space<vmem>>) dst(%dma_wait3A_37 : memref<128x128xf32, #tpu.memory_space<vmem_shared>>)
      tpu.yield
    }) : () -> ()
    %add3A_6 = arith.constant 384 : i32
    %add3A_7 = arith.addi %mul3A_0, %add3A_6 : i32
    "tpu.region"() ({
      %run_scoped3A = tpu.sem_alloc : memref<!tpu.dma_semaphore, #tpu.memory_space<semaphore_mem>>
      %dma_start3A = arith.constant 0 : i32
      %dma_start3A_23 = arith.constant 0 : i32
      %dma_start3A_24 = tpu.memref_slice %arg9[%dma_start3A, %dma_start3A_23] : memref<128x128xf32, #tpu.memory_space<vmem>> -> memref<128x128xf32, #tpu.memory_space<vmem>>
      %dma_start3A_25 = arith.constant 0 : i32
      %dma_start3A_26 = tpu.memref_slice %arg10[%add3A_7, %dma_start3A_25] : memref<10240x128xf32, #tpu.memory_space<vmem_shared>> -> memref<128x128xf32, #tpu.memory_space<vmem_shared>>
      %dma_start3A_27 = arith.constant 0 : i32
      %dma_start3A_28 = tpu.memref_slice %arg10[%add3A_7, %dma_start3A_27] : memref<10240x128xf32, #tpu.memory_space<vmem_shared>> -> memref<128x128xf32, #tpu.memory_space<vmem_shared>>
      %dma_start3A_29 = arith.constant 0 : i32
      %dma_start3A_30 = arith.constant 0 : i32
      %dma_start3A_31 = tpu.memref_slice %arg9[%dma_start3A_29, %dma_start3A_30] : memref<128x128xf32, #tpu.memory_space<vmem>> -> memref<128x128xf32, #tpu.memory_space<vmem>>
      tpu.enqueue_dma source(%dma_start3A_31 : memref<128x128xf32, #tpu.memory_space<vmem>>) target(%dma_start3A_28 : memref<128x128xf32, #tpu.memory_space<vmem_shared>>) target_semaphore(%run_scoped3A : memref<!tpu.dma_semaphore, #tpu.memory_space<semaphore_mem>>)
      %dma_wait3A = arith.constant 0 : i32
      %dma_wait3A_32 = arith.constant 0 : i32
      %dma_wait3A_33 = tpu.memref_slice %arg9[%dma_wait3A, %dma_wait3A_32] : memref<128x128xf32, #tpu.memory_space<vmem>> -> memref<128x128xf32, #tpu.memory_space<vmem>>
      %dma_wait3A_34 = arith.constant 0 : i32
      %dma_wait3A_35 = tpu.memref_slice %arg10[%add3A_7, %dma_wait3A_34] : memref<10240x128xf32, #tpu.memory_space<vmem_shared>> -> memref<128x128xf32, #tpu.memory_space<vmem_shared>>
      %dma_wait3A_36 = arith.constant 0 : i32
      %dma_wait3A_37 = tpu.memref_slice %arg10[%add3A_7, %dma_wait3A_36] : memref<10240x128xf32, #tpu.memory_space<vmem_shared>> -> memref<128x128xf32, #tpu.memory_space<vmem_shared>>
      %dma_wait3A_38 = arith.constant 0 : i32
      %dma_wait3A_39 = arith.constant 0 : i32
      %dma_wait3A_40 = tpu.memref_slice %arg9[%dma_wait3A_38, %dma_wait3A_39] : memref<128x128xf32, #tpu.memory_space<vmem>> -> memref<128x128xf32, #tpu.memory_space<vmem>>
      tpu.wait_dma2 semaphore(%run_scoped3A : memref<!tpu.dma_semaphore, #tpu.memory_space<semaphore_mem>>) src(%dma_wait3A_40 : memref<128x128xf32, #tpu.memory_space<vmem>>) dst(%dma_wait3A_37 : memref<128x128xf32, #tpu.memory_space<vmem_shared>>)
      tpu.yield
    }) : () -> ()
    %add3A_8 = arith.constant 512 : i32
    %add3A_9 = arith.addi %mul3A_0, %add3A_8 : i32
    "tpu.region"() ({
      %run_scoped3A = tpu.sem_alloc : memref<!tpu.dma_semaphore, #tpu.memory_space<semaphore_mem>>
      %dma_start3A = arith.constant 0 : i32
      %dma_start3A_23 = arith.constant 0 : i32
      %dma_start3A_24 = tpu.memref_slice %arg9[%dma_start3A, %dma_start3A_23] : memref<128x128xf32, #tpu.memory_space<vmem>> -> memref<128x128xf32, #tpu.memory_space<vmem>>
      %dma_start3A_25 = arith.constant 0 : i32
      %dma_start3A_26 = tpu.memref_slice %arg10[%add3A_9, %dma_start3A_25] : memref<10240x128xf32, #tpu.memory_space<vmem_shared>> -> memref<128x128xf32, #tpu.memory_space<vmem_shared>>
      %dma_start3A_27 = arith.constant 0 : i32
      %dma_start3A_28 = tpu.memref_slice %arg10[%add3A_9, %dma_start3A_27] : memref<10240x128xf32, #tpu.memory_space<vmem_shared>> -> memref<128x128xf32, #tpu.memory_space<vmem_shared>>
      %dma_start3A_29 = arith.constant 0 : i32
      %dma_start3A_30 = arith.constant 0 : i32
      %dma_start3A_31 = tpu.memref_slice %arg9[%dma_start3A_29, %dma_start3A_30] : memref<128x128xf32, #tpu.memory_space<vmem>> -> memref<128x128xf32, #tpu.memory_space<vmem>>
      tpu.enqueue_dma source(%dma_start3A_31 : memref<128x128xf32, #tpu.memory_space<vmem>>) target(%dma_start3A_28 : memref<128x128xf32, #tpu.memory_space<vmem_shared>>) target_semaphore(%run_scoped3A : memref<!tpu.dma_semaphore, #tpu.memory_space<semaphore_mem>>)
      %dma_wait3A = arith.constant 0 : i32
      %dma_wait3A_32 = arith.constant 0 : i32
      %dma_wait3A_33 = tpu.memref_slice %arg9[%dma_wait3A, %dma_wait3A_32] : memref<128x128xf32, #tpu.memory_space<vmem>> -> memref<128x128xf32, #tpu.memory_space<vmem>>
      %dma_wait3A_34 = arith.constant 0 : i32
      %dma_wait3A_35 = tpu.memref_slice %arg10[%add3A_9, %dma_wait3A_34] : memref<10240x128xf32, #tpu.memory_space<vmem_shared>> -> memref<128x128xf32, #tpu.memory_space<vmem_shared>>
      %dma_wait3A_36 = arith.constant 0 : i32
      %dma_wait3A_37 = tpu.memref_slice %arg10[%add3A_9, %dma_wait3A_36] : memref<10240x128xf32, #tpu.memory_space<vmem_shared>> -> memref<128x128xf32, #tpu.memory_space<vmem_shared>>
      %dma_wait3A_38 = arith.constant 0 : i32
      %dma_wait3A_39 = arith.constant 0 : i32
      %dma_wait3A_40 = tpu.memref_slice %arg9[%dma_wait3A_38, %dma_wait3A_39] : memref<128x128xf32, #tpu.memory_space<vmem>> -> memref<128x128xf32, #tpu.memory_space<vmem>>
      tpu.wait_dma2 semaphore(%run_scoped3A : memref<!tpu.dma_semaphore, #tpu.memory_space<semaphore_mem>>) src(%dma_wait3A_40 : memref<128x128xf32, #tpu.memory_space<vmem>>) dst(%dma_wait3A_37 : memref<128x128xf32, #tpu.memory_space<vmem_shared>>)
      tpu.yield
    }) : () -> ()
    %mul3A_10 = arith.constant 1280 : i32
    %mul3A_11 = arith.muli %arg0, %mul3A_10 : i32
    %mul3A_12 = arith.constant 80 : i32
    %mul3A_13 = arith.muli %arg1, %mul3A_12 : i32
    %add3A_14 = arith.addi %mul3A_11, %mul3A_13 : i32
    "tpu.region"() ({
      %run_scoped3A = tpu.sem_alloc : memref<!tpu.dma_semaphore, #tpu.memory_space<semaphore_mem>>
      %dma_start3A = arith.constant 0 : i32
      %dma_start3A_23 = tpu.memref_slice %arg3[%add3A_14, %dma_start3A] : memref<2560x128xi32, #tpu.memory_space<hbm>> -> memref<80x128xi32, #tpu.memory_space<hbm>>
      %dma_start3A_24 = arith.constant 0 : i32
      %dma_start3A_25 = tpu.memref_slice %arg3[%add3A_14, %dma_start3A_24] : memref<2560x128xi32, #tpu.memory_space<hbm>> -> memref<80x128xi32, #tpu.memory_space<hbm>>
      tpu.enqueue_dma source(%dma_start3A_25 : memref<80x128xi32, #tpu.memory_space<hbm>>) target(%arg7 : memref<80x128xi32, #tpu.memory_space<vmem>>) target_semaphore(%run_scoped3A : memref<!tpu.dma_semaphore, #tpu.memory_space<semaphore_mem>>)
      %dma_wait3A = arith.constant 0 : i32
      %dma_wait3A_26 = tpu.memref_slice %arg3[%add3A_14, %dma_wait3A] : memref<2560x128xi32, #tpu.memory_space<hbm>> -> memref<80x128xi32, #tpu.memory_space<hbm>>
      %dma_wait3A_27 = arith.constant 0 : i32
      %dma_wait3A_28 = tpu.memref_slice %arg3[%add3A_14, %dma_wait3A_27] : memref<2560x128xi32, #tpu.memory_space<hbm>> -> memref<80x128xi32, #tpu.memory_space<hbm>>
      tpu.wait_dma2 semaphore(%run_scoped3A : memref<!tpu.dma_semaphore, #tpu.memory_space<semaphore_mem>>) src(%dma_wait3A_28 : memref<80x128xi32, #tpu.memory_space<hbm>>) dst(%arg7 : memref<80x128xi32, #tpu.memory_space<vmem>>)
      tpu.yield
    }) : () -> ()
    "tpu.region"() ({
      %run_scoped3A = tpu.sem_alloc : memref<!tpu.dma_semaphore, #tpu.memory_space<semaphore_mem>>
      %dma_start3A = arith.constant 0 : i32
      %dma_start3A_23 = tpu.memref_slice %arg4[%add3A_14, %dma_start3A] : memref<2560x128xi32, #tpu.memory_space<hbm>> -> memref<80x128xi32, #tpu.memory_space<hbm>>
      %dma_start3A_24 = arith.constant 0 : i32
      %dma_start3A_25 = tpu.memref_slice %arg4[%add3A_14, %dma_start3A_24] : memref<2560x128xi32, #tpu.memory_space<hbm>> -> memref<80x128xi32, #tpu.memory_space<hbm>>
      tpu.enqueue_dma source(%dma_start3A_25 : memref<80x128xi32, #tpu.memory_space<hbm>>) target(%arg8 : memref<80x128xi32, #tpu.memory_space<vmem>>) target_semaphore(%run_scoped3A : memref<!tpu.dma_semaphore, #tpu.memory_space<semaphore_mem>>)
      %dma_wait3A = arith.constant 0 : i32
      %dma_wait3A_26 = tpu.memref_slice %arg4[%add3A_14, %dma_wait3A] : memref<2560x128xi32, #tpu.memory_space<hbm>> -> memref<80x128xi32, #tpu.memory_space<hbm>>
      %dma_wait3A_27 = arith.constant 0 : i32
      %dma_wait3A_28 = tpu.memref_slice %arg4[%add3A_14, %dma_wait3A_27] : memref<2560x128xi32, #tpu.memory_space<hbm>> -> memref<80x128xi32, #tpu.memory_space<hbm>>
      tpu.wait_dma2 semaphore(%run_scoped3A : memref<!tpu.dma_semaphore, #tpu.memory_space<semaphore_mem>>) src(%dma_wait3A_28 : memref<80x128xi32, #tpu.memory_space<hbm>>) dst(%arg8 : memref<80x128xi32, #tpu.memory_space<vmem>>)
      tpu.yield
    }) : () -> ()
    %barrier3A = arith.constant 0 : index
    tpu.barrier barrier_id(%barrier3A)
    %scan3A = arith.constant 0 : i32
    %scan3A_15 = arith.constant 80 : i32
    %scan3A_16 = arith.addi %scan3A, %scan3A_15 : i32
    %scan3A_17 = arith.constant 1 : i32
    scf.for %scan3A_23 = %scan3A to %scan3A_16 step %scan3A_17  : i32 {
      %mul3A_24 = arith.constant 1 : i32
      %mul3A_25 = arith.muli %scan3A_23, %mul3A_24 : i32
      %add3A_26 = arith.constant 0 : i32
      %add3A_27 = arith.addi %add3A_26, %mul3A_25 : i32
      %dma_start3A = arith.constant 0 : i32
      %dma_start3A_28 = tpu.memref_slice %arg7[%add3A_27, %dma_start3A] : memref<80x128xi32, #tpu.memory_space<vmem>> -> memref<1x128xi32, #tpu.memory_space<vmem>>
      %dma_start3A_29 = tpu.memref_squeeze %dma_start3A_28 : memref<1x128xi32, #tpu.memory_space<vmem>> -> memref<128xi32, #tpu.memory_space<vmem>>
      %dma_start3A_30 = arith.constant 0 : i32
      %dma_start3A_31 = arith.constant 0 : i32
      %dma_start3A_32 = tpu.memref_slice %arg2[%dma_start3A_30, %dma_start3A_31] : memref<10240x128xf32, #tpu.memory_space<hbm>> -> memref<10240x128xf32, #tpu.memory_space<hbm>>
      tpu.enqueue_indirect_dma source(%dma_start3A_32 : memref<10240x128xf32, #tpu.memory_space<hbm>>) target(%arg9 : memref<128x128xf32, #tpu.memory_space<vmem>>) offsets(%dma_start3A_29 : memref<128xi32, #tpu.memory_space<vmem>>) semaphore(%arg11 : memref<!tpu.dma_semaphore, #tpu.memory_space<semaphore_mem>>)
      %dma_wait3A = arith.constant 0 : i32
      %dma_wait3A_33 = tpu.memref_slice %arg7[%add3A_27, %dma_wait3A] : memref<80x128xi32, #tpu.memory_space<vmem>> -> memref<1x128xi32, #tpu.memory_space<vmem>>
      %dma_wait3A_34 = tpu.memref_squeeze %dma_wait3A_33 : memref<1x128xi32, #tpu.memory_space<vmem>> -> memref<128xi32, #tpu.memory_space<vmem>>
      %dma_wait3A_35 = arith.constant 0 : i32
      %dma_wait3A_36 = arith.constant 0 : i32
      %dma_wait3A_37 = tpu.memref_slice %arg2[%dma_wait3A_35, %dma_wait3A_36] : memref<10240x128xf32, #tpu.memory_space<hbm>> -> memref<10240x128xf32, #tpu.memory_space<hbm>>
      tpu.wait_indirect_dma semaphore(%arg11 : memref<!tpu.dma_semaphore, #tpu.memory_space<semaphore_mem>>) src(%dma_wait3A_37 : memref<10240x128xf32, #tpu.memory_space<hbm>>) dst(%arg9 : memref<128x128xf32, #tpu.memory_space<vmem>>)
      "tpu.region"() ({
        %run_scoped3A = tpu.sem_alloc : memref<!tpu.dma_semaphore, #tpu.memory_space<semaphore_mem>>
        %dma_start3A_38 = arith.constant 0 : i32
        %dma_start3A_39 = tpu.memref_slice %arg8[%add3A_27, %dma_start3A_38] : memref<80x128xi32, #tpu.memory_space<vmem>> -> memref<1x128xi32, #tpu.memory_space<vmem>>
        %dma_start3A_40 = tpu.memref_squeeze %dma_start3A_39 : memref<1x128xi32, #tpu.memory_space<vmem>> -> memref<128xi32, #tpu.memory_space<vmem>>
        %dma_start3A_41 = arith.constant 0 : i32
        %dma_start3A_42 = arith.constant 0 : i32
        %dma_start3A_43 = tpu.memref_slice %arg10[%dma_start3A_41, %dma_start3A_42] : memref<10240x128xf32, #tpu.memory_space<vmem_shared>> -> memref<10240x128xf32, #tpu.memory_space<vmem_shared>>
        tpu.enqueue_indirect_dma source(%arg9 : memref<128x128xf32, #tpu.memory_space<vmem>>) target(%dma_start3A_43 : memref<10240x128xf32, #tpu.memory_space<vmem_shared>>) offsets(%dma_start3A_40 : memref<128xi32, #tpu.memory_space<vmem>>) semaphore(%run_scoped3A : memref<!tpu.dma_semaphore, #tpu.memory_space<semaphore_mem>>) {add = true}
        %dma_wait3A_44 = arith.constant 0 : i32
        %dma_wait3A_45 = tpu.memref_slice %arg8[%add3A_27, %dma_wait3A_44] : memref<80x128xi32, #tpu.memory_space<vmem>> -> memref<1x128xi32, #tpu.memory_space<vmem>>
        %dma_wait3A_46 = tpu.memref_squeeze %dma_wait3A_45 : memref<1x128xi32, #tpu.memory_space<vmem>> -> memref<128xi32, #tpu.memory_space<vmem>>
        %dma_wait3A_47 = arith.constant 0 : i32
        %dma_wait3A_48 = arith.constant 0 : i32
        %dma_wait3A_49 = tpu.memref_slice %arg10[%dma_wait3A_47, %dma_wait3A_48] : memref<10240x128xf32, #tpu.memory_space<vmem_shared>> -> memref<10240x128xf32, #tpu.memory_space<vmem_shared>>
        tpu.wait_indirect_dma semaphore(%run_scoped3A : memref<!tpu.dma_semaphore, #tpu.memory_space<semaphore_mem>>) src(%arg9 : memref<128x128xf32, #tpu.memory_space<vmem>>) dst(%dma_wait3A_49 : memref<10240x128xf32, #tpu.memory_space<vmem_shared>>)
        tpu.yield
      }) : () -> ()
    }
    %scan3A_18 = arith.constant 80 : i32
    %barrier3A_19 = arith.constant 0 : index
    tpu.barrier barrier_id(%barrier3A_19)
    %mul3A_20 = arith.constant 10240 : i32
    %mul3A_21 = arith.muli %arg0, %mul3A_20 : i32
    %add3A_22 = arith.addi %mul3A_21, %mul3A_0 : i32
    "tpu.region"() ({
      %run_scoped3A = tpu.sem_alloc : memref<!tpu.dma_semaphore, #tpu.memory_space<semaphore_mem>>
      %dma_start3A = arith.constant 0 : i32
      %dma_start3A_23 = tpu.memref_slice %arg6[%add3A_22, %dma_start3A] : memref<20480x128xf32, #tpu.memory_space<hbm>> -> memref<640x128xf32, #tpu.memory_space<hbm>>
      %dma_start3A_24 = arith.constant 0 : i32
      %dma_start3A_25 = tpu.memref_slice %arg10[%mul3A_0, %dma_start3A_24] : memref<10240x128xf32, #tpu.memory_space<vmem_shared>> -> memref<640x128xf32, #tpu.memory_space<vmem_shared>>
      tpu.enqueue_dma source(%dma_start3A_25 : memref<640x128xf32, #tpu.memory_space<vmem_shared>>) target(%dma_start3A_23 : memref<640x128xf32, #tpu.memory_space<hbm>>) target_semaphore(%run_scoped3A : memref<!tpu.dma_semaphore, #tpu.memory_space<semaphore_mem>>)
      %dma_wait3A = arith.constant 0 : i32
      %dma_wait3A_26 = tpu.memref_slice %arg6[%add3A_22, %dma_wait3A] : memref<20480x128xf32, #tpu.memory_space<hbm>> -> memref<640x128xf32, #tpu.memory_space<hbm>>
      %dma_wait3A_27 = arith.constant 0 : i32
      %dma_wait3A_28 = tpu.memref_slice %arg10[%mul3A_0, %dma_wait3A_27] : memref<10240x128xf32, #tpu.memory_space<vmem_shared>> -> memref<640x128xf32, #tpu.memory_space<vmem_shared>>
      tpu.wait_dma2 semaphore(%run_scoped3A : memref<!tpu.dma_semaphore, #tpu.memory_space<semaphore_mem>>) src(%dma_wait3A_28 : memref<640x128xf32, #tpu.memory_space<vmem_shared>>) dst(%dma_wait3A_26 : memref<640x128xf32, #tpu.memory_space<hbm>>)
      tpu.yield
    }) : () -> ()
    return
  }
}

#map = affine_map<(d0, d1) -> (0, 0)>
module attributes {stable_mosaic.version = 14 : i64} {
  func.func @k(%arg0: i32, %arg1: i32, %arg2: memref<10240x128xf32, #tpu.memory_space<hbm>>, %arg3: memref<2560x128xi32, #tpu.memory_space<hbm>>, %arg4: memref<2560x128xi32, #tpu.memory_space<hbm>>, %arg5: memref<128x128xf32, #tpu.memory_space<hbm>>, %arg6: memref<20480x128xf32, #tpu.memory_space<hbm>>, %arg7: memref<80x128xi32, #tpu.memory_space<vmem>>, %arg8: memref<80x128xi32, #tpu.memory_space<vmem>>, %arg9: memref<128x128xf32, #tpu.memory_space<vmem>>, %arg10: memref<10240x128xf32, #tpu.memory_space<vmem_shared>>, %arg11: memref<!tpu.dma_semaphore, #tpu.memory_space<semaphore_mem>>) attributes {dimension_semantics = [#tpu.dimension_semantics<core_parallel>, #tpu.dimension_semantics<subcore_parallel>], iteration_bounds = array<i64: 2, 16>, scalar_prefetch = 0 : i64, scratch_operands = 5 : i64, tpu.core_type = #tpu.core_type<sc_vector_subcore>, window_params = [{transform_indices = #map}, {transform_indices = #map}, {transform_indices = #map}, {transform_indices = #map}, {transform_indices = #map}]} {
    "tpu.region"() ({
      %run_scoped3A = tpu.sem_alloc : memref<!tpu.dma_semaphore, #tpu.memory_space<semaphore_mem>>
      tpu.enqueue_dma source(%arg5 : memref<128x128xf32, #tpu.memory_space<hbm>>) target(%arg9 : memref<128x128xf32, #tpu.memory_space<vmem>>) target_semaphore(%run_scoped3A : memref<!tpu.dma_semaphore, #tpu.memory_space<semaphore_mem>>)
      tpu.wait_dma2 semaphore(%run_scoped3A : memref<!tpu.dma_semaphore, #tpu.memory_space<semaphore_mem>>) src(%arg5 : memref<128x128xf32, #tpu.memory_space<hbm>>) dst(%arg9 : memref<128x128xf32, #tpu.memory_space<vmem>>)
      tpu.yield
    }) : () -> ()
    %mul3A = arith.constant 640 : i32
    %mul3A_0 = arith.muli %arg1, %mul3A : i32
    %add3A = arith.constant 0 : i32
    %add3A_1 = arith.addi %mul3A_0, %add3A : i32
    "tpu.region"() ({
      %run_scoped3A = tpu.sem_alloc : memref<!tpu.dma_semaphore, #tpu.memory_space<semaphore_mem>>
      %dma_start3A = arith.constant 0 : i32
      %dma_start3A_23 = arith.constant 0 : i32
      %dma_start3A_24 = tpu.memref_slice %arg9[%dma_start3A, %dma_start3A_23] : memref<128x128xf32, #tpu.memory_space<vmem>> -> memref<128x128xf32, #tpu.memory_space<vmem>>
      %dma_start3A_25 = arith.constant 0 : i32
      %dma_start3A_26 = tpu.memref_slice %arg10[%add3A_1, %dma_start3A_25] : memref<10240x128xf32, #tpu.memory_space<vmem_shared>> -> memref<128x128xf32, #tpu.memory_space<vmem_shared>>
      %dma_start3A_27 = arith.constant 0 : i32
      %dma_start3A_28 = tpu.memref_slice %arg10[%add3A_1, %dma_start3A_27] : memref<10240x128xf32, #tpu.memory_space<vmem_shared>> -> memref<128x128xf32, #tpu.memory_space<vmem_shared>>
      %dma_start3A_29 = arith.constant 0 : i32
      %dma_start3A_30 = arith.constant 0 : i32
      %dma_start3A_31 = tpu.memref_slice %arg9[%dma_start3A_29, %dma_start3A_30] : memref<128x128xf32, #tpu.memory_space<vmem>> -> memref<128x128xf32, #tpu.memory_space<vmem>>
      tpu.enqueue_dma source(%dma_start3A_31 : memref<128x128xf32, #tpu.memory_space<vmem>>) target(%dma_start3A_28 : memref<128x128xf32, #tpu.memory_space<vmem_shared>>) target_semaphore(%run_scoped3A : memref<!tpu.dma_semaphore, #tpu.memory_space<semaphore_mem>>)
      %dma_wait3A = arith.constant 0 : i32
      %dma_wait3A_32 = arith.constant 0 : i32
      %dma_wait3A_33 = tpu.memref_slice %arg9[%dma_wait3A, %dma_wait3A_32] : memref<128x128xf32, #tpu.memory_space<vmem>> -> memref<128x128xf32, #tpu.memory_space<vmem>>
      %dma_wait3A_34 = arith.constant 0 : i32
      %dma_wait3A_35 = tpu.memref_slice %arg10[%add3A_1, %dma_wait3A_34] : memref<10240x128xf32, #tpu.memory_space<vmem_shared>> -> memref<128x128xf32, #tpu.memory_space<vmem_shared>>
      %dma_wait3A_36 = arith.constant 0 : i32
      %dma_wait3A_37 = tpu.memref_slice %arg10[%add3A_1, %dma_wait3A_36] : memref<10240x128xf32, #tpu.memory_space<vmem_shared>> -> memref<128x128xf32, #tpu.memory_space<vmem_shared>>
      %dma_wait3A_38 = arith.constant 0 : i32
      %dma_wait3A_39 = arith.constant 0 : i32
      %dma_wait3A_40 = tpu.memref_slice %arg9[%dma_wait3A_38, %dma_wait3A_39] : memref<128x128xf32, #tpu.memory_space<vmem>> -> memref<128x128xf32, #tpu.memory_space<vmem>>
      tpu.wait_dma2 semaphore(%run_scoped3A : memref<!tpu.dma_semaphore, #tpu.memory_space<semaphore_mem>>) src(%dma_wait3A_40 : memref<128x128xf32, #tpu.memory_space<vmem>>) dst(%dma_wait3A_37 : memref<128x128xf32, #tpu.memory_space<vmem_shared>>)
      tpu.yield
    }) : () -> ()
    %add3A_2 = arith.constant 128 : i32
    %add3A_3 = arith.addi %mul3A_0, %add3A_2 : i32
    "tpu.region"() ({
      %run_scoped3A = tpu.sem_alloc : memref<!tpu.dma_semaphore, #tpu.memory_space<semaphore_mem>>
      %dma_start3A = arith.constant 0 : i32
      %dma_start3A_23 = arith.constant 0 : i32
      %dma_start3A_24 = tpu.memref_slice %arg9[%dma_start3A, %dma_start3A_23] : memref<128x128xf32, #tpu.memory_space<vmem>> -> memref<128x128xf32, #tpu.memory_space<vmem>>
      %dma_start3A_25 = arith.constant 0 : i32
      %dma_start3A_26 = tpu.memref_slice %arg10[%add3A_3, %dma_start3A_25] : memref<10240x128xf32, #tpu.memory_space<vmem_shared>> -> memref<128x128xf32, #tpu.memory_space<vmem_shared>>
      %dma_start3A_27 = arith.constant 0 : i32
      %dma_start3A_28 = tpu.memref_slice %arg10[%add3A_3, %dma_start3A_27] : memref<10240x128xf32, #tpu.memory_space<vmem_shared>> -> memref<128x128xf32, #tpu.memory_space<vmem_shared>>
      %dma_start3A_29 = arith.constant 0 : i32
      %dma_start3A_30 = arith.constant 0 : i32
      %dma_start3A_31 = tpu.memref_slice %arg9[%dma_start3A_29, %dma_start3A_30] : memref<128x128xf32, #tpu.memory_space<vmem>> -> memref<128x128xf32, #tpu.memory_space<vmem>>
      tpu.enqueue_dma source(%dma_start3A_31 : memref<128x128xf32, #tpu.memory_space<vmem>>) target(%dma_start3A_28 : memref<128x128xf32, #tpu.memory_space<vmem_shared>>) target_semaphore(%run_scoped3A : memref<!tpu.dma_semaphore, #tpu.memory_space<semaphore_mem>>)
      %dma_wait3A = arith.constant 0 : i32
      %dma_wait3A_32 = arith.constant 0 : i32
      %dma_wait3A_33 = tpu.memref_slice %arg9[%dma_wait3A, %dma_wait3A_32] : memref<128x128xf32, #tpu.memory_space<vmem>> -> memref<128x128xf32, #tpu.memory_space<vmem>>
      %dma_wait3A_34 = arith.constant 0 : i32
      %dma_wait3A_35 = tpu.memref_slice %arg10[%add3A_3, %dma_wait3A_34] : memref<10240x128xf32, #tpu.memory_space<vmem_shared>> -> memref<128x128xf32, #tpu.memory_space<vmem_shared>>
      %dma_wait3A_36 = arith.constant 0 : i32
      %dma_wait3A_37 = tpu.memref_slice %arg10[%add3A_3, %dma_wait3A_36] : memref<10240x128xf32, #tpu.memory_space<vmem_shared>> -> memref<128x128xf32, #tpu.memory_space<vmem_shared>>
      %dma_wait3A_38 = arith.constant 0 : i32
      %dma_wait3A_39 = arith.constant 0 : i32
      %dma_wait3A_40 = tpu.memref_slice %arg9[%dma_wait3A_38, %dma_wait3A_39] : memref<128x128xf32, #tpu.memory_space<vmem>> -> memref<128x128xf32, #tpu.memory_space<vmem>>
      tpu.wait_dma2 semaphore(%run_scoped3A : memref<!tpu.dma_semaphore, #tpu.memory_space<semaphore_mem>>) src(%dma_wait3A_40 : memref<128x128xf32, #tpu.memory_space<vmem>>) dst(%dma_wait3A_37 : memref<128x128xf32, #tpu.memory_space<vmem_shared>>)
      tpu.yield
    }) : () -> ()
    %add3A_4 = arith.constant 256 : i32
    %add3A_5 = arith.addi %mul3A_0, %add3A_4 : i32
    "tpu.region"() ({
      %run_scoped3A = tpu.sem_alloc : memref<!tpu.dma_semaphore, #tpu.memory_space<semaphore_mem>>
      %dma_start3A = arith.constant 0 : i32
      %dma_start3A_23 = arith.constant 0 : i32
      %dma_start3A_24 = tpu.memref_slice %arg9[%dma_start3A, %dma_start3A_23] : memref<128x128xf32, #tpu.memory_space<vmem>> -> memref<128x128xf32, #tpu.memory_space<vmem>>
      %dma_start3A_25 = arith.constant 0 : i32
      %dma_start3A_26 = tpu.memref_slice %arg10[%add3A_5, %dma_start3A_25] : memref<10240x128xf32, #tpu.memory_space<vmem_shared>> -> memref<128x128xf32, #tpu.memory_space<vmem_shared>>
      %dma_start3A_27 = arith.constant 0 : i32
      %dma_start3A_28 = tpu.memref_slice %arg10[%add3A_5, %dma_start3A_27] : memref<10240x128xf32, #tpu.memory_space<vmem_shared>> -> memref<128x128xf32, #tpu.memory_space<vmem_shared>>
      %dma_start3A_29 = arith.constant 0 : i32
      %dma_start3A_30 = arith.constant 0 : i32
      %dma_start3A_31 = tpu.memref_slice %arg9[%dma_start3A_29, %dma_start3A_30] : memref<128x128xf32, #tpu.memory_space<vmem>> -> memref<128x128xf32, #tpu.memory_space<vmem>>
      tpu.enqueue_dma source(%dma_start3A_31 : memref<128x128xf32, #tpu.memory_space<vmem>>) target(%dma_start3A_28 : memref<128x128xf32, #tpu.memory_space<vmem_shared>>) target_semaphore(%run_scoped3A : memref<!tpu.dma_semaphore, #tpu.memory_space<semaphore_mem>>)
      %dma_wait3A = arith.constant 0 : i32
      %dma_wait3A_32 = arith.constant 0 : i32
      %dma_wait3A_33 = tpu.memref_slice %arg9[%dma_wait3A, %dma_wait3A_32] : memref<128x128xf32, #tpu.memory_space<vmem>> -> memref<128x128xf32, #tpu.memory_space<vmem>>
      %dma_wait3A_34 = arith.constant 0 : i32
      %dma_wait3A_35 = tpu.memref_slice %arg10[%add3A_5, %dma_wait3A_34] : memref<10240x128xf32, #tpu.memory_space<vmem_shared>> -> memref<128x128xf32, #tpu.memory_space<vmem_shared>>
      %dma_wait3A_36 = arith.constant 0 : i32
      %dma_wait3A_37 = tpu.memref_slice %arg10[%add3A_5, %dma_wait3A_36] : memref<10240x128xf32, #tpu.memory_space<vmem_shared>> -> memref<128x128xf32, #tpu.memory_space<vmem_shared>>
      %dma_wait3A_38 = arith.constant 0 : i32
      %dma_wait3A_39 = arith.constant 0 : i32
      %dma_wait3A_40 = tpu.memref_slice %arg9[%dma_wait3A_38, %dma_wait3A_39] : memref<128x128xf32, #tpu.memory_space<vmem>> -> memref<128x128xf32, #tpu.memory_space<vmem>>
      tpu.wait_dma2 semaphore(%run_scoped3A : memref<!tpu.dma_semaphore, #tpu.memory_space<semaphore_mem>>) src(%dma_wait3A_40 : memref<128x128xf32, #tpu.memory_space<vmem>>) dst(%dma_wait3A_37 : memref<128x128xf32, #tpu.memory_space<vmem_shared>>)
      tpu.yield
    }) : () -> ()
    %add3A_6 = arith.constant 384 : i32
    %add3A_7 = arith.addi %mul3A_0, %add3A_6 : i32
    "tpu.region"() ({
      %run_scoped3A = tpu.sem_alloc : memref<!tpu.dma_semaphore, #tpu.memory_space<semaphore_mem>>
      %dma_start3A = arith.constant 0 : i32
      %dma_start3A_23 = arith.constant 0 : i32
      %dma_start3A_24 = tpu.memref_slice %arg9[%dma_start3A, %dma_start3A_23] : memref<128x128xf32, #tpu.memory_space<vmem>> -> memref<128x128xf32, #tpu.memory_space<vmem>>
      %dma_start3A_25 = arith.constant 0 : i32
      %dma_start3A_26 = tpu.memref_slice %arg10[%add3A_7, %dma_start3A_25] : memref<10240x128xf32, #tpu.memory_space<vmem_shared>> -> memref<128x128xf32, #tpu.memory_space<vmem_shared>>
      %dma_start3A_27 = arith.constant 0 : i32
      %dma_start3A_28 = tpu.memref_slice %arg10[%add3A_7, %dma_start3A_27] : memref<10240x128xf32, #tpu.memory_space<vmem_shared>> -> memref<128x128xf32, #tpu.memory_space<vmem_shared>>
      %dma_start3A_29 = arith.constant 0 : i32
      %dma_start3A_30 = arith.constant 0 : i32
      %dma_start3A_31 = tpu.memref_slice %arg9[%dma_start3A_29, %dma_start3A_30] : memref<128x128xf32, #tpu.memory_space<vmem>> -> memref<128x128xf32, #tpu.memory_space<vmem>>
      tpu.enqueue_dma source(%dma_start3A_31 : memref<128x128xf32, #tpu.memory_space<vmem>>) target(%dma_start3A_28 : memref<128x128xf32, #tpu.memory_space<vmem_shared>>) target_semaphore(%run_scoped3A : memref<!tpu.dma_semaphore, #tpu.memory_space<semaphore_mem>>)
      %dma_wait3A = arith.constant 0 : i32
      %dma_wait3A_32 = arith.constant 0 : i32
      %dma_wait3A_33 = tpu.memref_slice %arg9[%dma_wait3A, %dma_wait3A_32] : memref<128x128xf32, #tpu.memory_space<vmem>> -> memref<128x128xf32, #tpu.memory_space<vmem>>
      %dma_wait3A_34 = arith.constant 0 : i32
      %dma_wait3A_35 = tpu.memref_slice %arg10[%add3A_7, %dma_wait3A_34] : memref<10240x128xf32, #tpu.memory_space<vmem_shared>> -> memref<128x128xf32, #tpu.memory_space<vmem_shared>>
      %dma_wait3A_36 = arith.constant 0 : i32
      %dma_wait3A_37 = tpu.memref_slice %arg10[%add3A_7, %dma_wait3A_36] : memref<10240x128xf32, #tpu.memory_space<vmem_shared>> -> memref<128x128xf32, #tpu.memory_space<vmem_shared>>
      %dma_wait3A_38 = arith.constant 0 : i32
      %dma_wait3A_39 = arith.constant 0 : i32
      %dma_wait3A_40 = tpu.memref_slice %arg9[%dma_wait3A_38, %dma_wait3A_39] : memref<128x128xf32, #tpu.memory_space<vmem>> -> memref<128x128xf32, #tpu.memory_space<vmem>>
      tpu.wait_dma2 semaphore(%run_scoped3A : memref<!tpu.dma_semaphore, #tpu.memory_space<semaphore_mem>>) src(%dma_wait3A_40 : memref<128x128xf32, #tpu.memory_space<vmem>>) dst(%dma_wait3A_37 : memref<128x128xf32, #tpu.memory_space<vmem_shared>>)
      tpu.yield
    }) : () -> ()
    %add3A_8 = arith.constant 512 : i32
    %add3A_9 = arith.addi %mul3A_0, %add3A_8 : i32
    "tpu.region"() ({
      %run_scoped3A = tpu.sem_alloc : memref<!tpu.dma_semaphore, #tpu.memory_space<semaphore_mem>>
      %dma_start3A = arith.constant 0 : i32
      %dma_start3A_23 = arith.constant 0 : i32
      %dma_start3A_24 = tpu.memref_slice %arg9[%dma_start3A, %dma_start3A_23] : memref<128x128xf32, #tpu.memory_space<vmem>> -> memref<128x128xf32, #tpu.memory_space<vmem>>
      %dma_start3A_25 = arith.constant 0 : i32
      %dma_start3A_26 = tpu.memref_slice %arg10[%add3A_9, %dma_start3A_25] : memref<10240x128xf32, #tpu.memory_space<vmem_shared>> -> memref<128x128xf32, #tpu.memory_space<vmem_shared>>
      %dma_start3A_27 = arith.constant 0 : i32
      %dma_start3A_28 = tpu.memref_slice %arg10[%add3A_9, %dma_start3A_27] : memref<10240x128xf32, #tpu.memory_space<vmem_shared>> -> memref<128x128xf32, #tpu.memory_space<vmem_shared>>
      %dma_start3A_29 = arith.constant 0 : i32
      %dma_start3A_30 = arith.constant 0 : i32
      %dma_start3A_31 = tpu.memref_slice %arg9[%dma_start3A_29, %dma_start3A_30] : memref<128x128xf32, #tpu.memory_space<vmem>> -> memref<128x128xf32, #tpu.memory_space<vmem>>
      tpu.enqueue_dma source(%dma_start3A_31 : memref<128x128xf32, #tpu.memory_space<vmem>>) target(%dma_start3A_28 : memref<128x128xf32, #tpu.memory_space<vmem_shared>>) target_semaphore(%run_scoped3A : memref<!tpu.dma_semaphore, #tpu.memory_space<semaphore_mem>>)
      %dma_wait3A = arith.constant 0 : i32
      %dma_wait3A_32 = arith.constant 0 : i32
      %dma_wait3A_33 = tpu.memref_slice %arg9[%dma_wait3A, %dma_wait3A_32] : memref<128x128xf32, #tpu.memory_space<vmem>> -> memref<128x128xf32, #tpu.memory_space<vmem>>
      %dma_wait3A_34 = arith.constant 0 : i32
      %dma_wait3A_35 = tpu.memref_slice %arg10[%add3A_9, %dma_wait3A_34] : memref<10240x128xf32, #tpu.memory_space<vmem_shared>> -> memref<128x128xf32, #tpu.memory_space<vmem_shared>>
      %dma_wait3A_36 = arith.constant 0 : i32
      %dma_wait3A_37 = tpu.memref_slice %arg10[%add3A_9, %dma_wait3A_36] : memref<10240x128xf32, #tpu.memory_space<vmem_shared>> -> memref<128x128xf32, #tpu.memory_space<vmem_shared>>
      %dma_wait3A_38 = arith.constant 0 : i32
      %dma_wait3A_39 = arith.constant 0 : i32
      %dma_wait3A_40 = tpu.memref_slice %arg9[%dma_wait3A_38, %dma_wait3A_39] : memref<128x128xf32, #tpu.memory_space<vmem>> -> memref<128x128xf32, #tpu.memory_space<vmem>>
      tpu.wait_dma2 semaphore(%run_scoped3A : memref<!tpu.dma_semaphore, #tpu.memory_space<semaphore_mem>>) src(%dma_wait3A_40 : memref<128x128xf32, #tpu.memory_space<vmem>>) dst(%dma_wait3A_37 : memref<128x128xf32, #tpu.memory_space<vmem_shared>>)
      tpu.yield
    }) : () -> ()
    %mul3A_10 = arith.constant 1280 : i32
    %mul3A_11 = arith.muli %arg0, %mul3A_10 : i32
    %mul3A_12 = arith.constant 80 : i32
    %mul3A_13 = arith.muli %arg1, %mul3A_12 : i32
    %add3A_14 = arith.addi %mul3A_11, %mul3A_13 : i32
    "tpu.region"() ({
      %run_scoped3A = tpu.sem_alloc : memref<!tpu.dma_semaphore, #tpu.memory_space<semaphore_mem>>
      %dma_start3A = arith.constant 0 : i32
      %dma_start3A_23 = tpu.memref_slice %arg3[%add3A_14, %dma_start3A] : memref<2560x128xi32, #tpu.memory_space<hbm>> -> memref<80x128xi32, #tpu.memory_space<hbm>>
      %dma_start3A_24 = arith.constant 0 : i32
      %dma_start3A_25 = tpu.memref_slice %arg3[%add3A_14, %dma_start3A_24] : memref<2560x128xi32, #tpu.memory_space<hbm>> -> memref<80x128xi32, #tpu.memory_space<hbm>>
      tpu.enqueue_dma source(%dma_start3A_25 : memref<80x128xi32, #tpu.memory_space<hbm>>) target(%arg7 : memref<80x128xi32, #tpu.memory_space<vmem>>) target_semaphore(%run_scoped3A : memref<!tpu.dma_semaphore, #tpu.memory_space<semaphore_mem>>)
      %dma_wait3A = arith.constant 0 : i32
      %dma_wait3A_26 = tpu.memref_slice %arg3[%add3A_14, %dma_wait3A] : memref<2560x128xi32, #tpu.memory_space<hbm>> -> memref<80x128xi32, #tpu.memory_space<hbm>>
      %dma_wait3A_27 = arith.constant 0 : i32
      %dma_wait3A_28 = tpu.memref_slice %arg3[%add3A_14, %dma_wait3A_27] : memref<2560x128xi32, #tpu.memory_space<hbm>> -> memref<80x128xi32, #tpu.memory_space<hbm>>
      tpu.wait_dma2 semaphore(%run_scoped3A : memref<!tpu.dma_semaphore, #tpu.memory_space<semaphore_mem>>) src(%dma_wait3A_28 : memref<80x128xi32, #tpu.memory_space<hbm>>) dst(%arg7 : memref<80x128xi32, #tpu.memory_space<vmem>>)
      tpu.yield
    }) : () -> ()
    "tpu.region"() ({
      %run_scoped3A = tpu.sem_alloc : memref<!tpu.dma_semaphore, #tpu.memory_space<semaphore_mem>>
      %dma_start3A = arith.constant 0 : i32
      %dma_start3A_23 = tpu.memref_slice %arg4[%add3A_14, %dma_start3A] : memref<2560x128xi32, #tpu.memory_space<hbm>> -> memref<80x128xi32, #tpu.memory_space<hbm>>
      %dma_start3A_24 = arith.constant 0 : i32
      %dma_start3A_25 = tpu.memref_slice %arg4[%add3A_14, %dma_start3A_24] : memref<2560x128xi32, #tpu.memory_space<hbm>> -> memref<80x128xi32, #tpu.memory_space<hbm>>
      tpu.enqueue_dma source(%dma_start3A_25 : memref<80x128xi32, #tpu.memory_space<hbm>>) target(%arg8 : memref<80x128xi32, #tpu.memory_space<vmem>>) target_semaphore(%run_scoped3A : memref<!tpu.dma_semaphore, #tpu.memory_space<semaphore_mem>>)
      %dma_wait3A = arith.constant 0 : i32
      %dma_wait3A_26 = tpu.memref_slice %arg4[%add3A_14, %dma_wait3A] : memref<2560x128xi32, #tpu.memory_space<hbm>> -> memref<80x128xi32, #tpu.memory_space<hbm>>
      %dma_wait3A_27 = arith.constant 0 : i32
      %dma_wait3A_28 = tpu.memref_slice %arg4[%add3A_14, %dma_wait3A_27] : memref<2560x128xi32, #tpu.memory_space<hbm>> -> memref<80x128xi32, #tpu.memory_space<hbm>>
      tpu.wait_dma2 semaphore(%run_scoped3A : memref<!tpu.dma_semaphore, #tpu.memory_space<semaphore_mem>>) src(%dma_wait3A_28 : memref<80x128xi32, #tpu.memory_space<hbm>>) dst(%arg8 : memref<80x128xi32, #tpu.memory_space<vmem>>)
      tpu.yield
    }) : () -> ()
    %barrier3A = arith.constant 0 : index
    tpu.barrier barrier_id(%barrier3A)
    %scan3A = arith.constant 0 : i32
    %scan3A_15 = arith.constant 80 : i32
    %scan3A_16 = arith.addi %scan3A, %scan3A_15 : i32
    %scan3A_17 = arith.constant 1 : i32
    scf.for %scan3A_23 = %scan3A to %scan3A_16 step %scan3A_17  : i32 {
      %mul3A_24 = arith.constant 1 : i32
      %mul3A_25 = arith.muli %scan3A_23, %mul3A_24 : i32
      %add3A_26 = arith.constant 0 : i32
      %add3A_27 = arith.addi %add3A_26, %mul3A_25 : i32
      %dma_start3A = arith.constant 0 : i32
      %dma_start3A_28 = tpu.memref_slice %arg7[%add3A_27, %dma_start3A] : memref<80x128xi32, #tpu.memory_space<vmem>> -> memref<1x128xi32, #tpu.memory_space<vmem>>
      %dma_start3A_29 = tpu.memref_squeeze %dma_start3A_28 : memref<1x128xi32, #tpu.memory_space<vmem>> -> memref<128xi32, #tpu.memory_space<vmem>>
      %dma_start3A_30 = arith.constant 0 : i32
      %dma_start3A_31 = arith.constant 0 : i32
      %dma_start3A_32 = tpu.memref_slice %arg2[%dma_start3A_30, %dma_start3A_31] : memref<10240x128xf32, #tpu.memory_space<hbm>> -> memref<10240x128xf32, #tpu.memory_space<hbm>>
      tpu.enqueue_indirect_dma source(%dma_start3A_32 : memref<10240x128xf32, #tpu.memory_space<hbm>>) target(%arg9 : memref<128x128xf32, #tpu.memory_space<vmem>>) offsets(%dma_start3A_29 : memref<128xi32, #tpu.memory_space<vmem>>) semaphore(%arg11 : memref<!tpu.dma_semaphore, #tpu.memory_space<semaphore_mem>>)
      %dma_wait3A = arith.constant 0 : i32
      %dma_wait3A_33 = tpu.memref_slice %arg7[%add3A_27, %dma_wait3A] : memref<80x128xi32, #tpu.memory_space<vmem>> -> memref<1x128xi32, #tpu.memory_space<vmem>>
      %dma_wait3A_34 = tpu.memref_squeeze %dma_wait3A_33 : memref<1x128xi32, #tpu.memory_space<vmem>> -> memref<128xi32, #tpu.memory_space<vmem>>
      %dma_wait3A_35 = arith.constant 0 : i32
      %dma_wait3A_36 = arith.constant 0 : i32
      %dma_wait3A_37 = tpu.memref_slice %arg2[%dma_wait3A_35, %dma_wait3A_36] : memref<10240x128xf32, #tpu.memory_space<hbm>> -> memref<10240x128xf32, #tpu.memory_space<hbm>>
      tpu.wait_indirect_dma semaphore(%arg11 : memref<!tpu.dma_semaphore, #tpu.memory_space<semaphore_mem>>) src(%dma_wait3A_37 : memref<10240x128xf32, #tpu.memory_space<hbm>>) dst(%arg9 : memref<128x128xf32, #tpu.memory_space<vmem>>)
      "tpu.region"() ({
        %run_scoped3A = tpu.sem_alloc : memref<!tpu.dma_semaphore, #tpu.memory_space<semaphore_mem>>
        %dma_start3A_38 = arith.constant 0 : i32
        %dma_start3A_39 = tpu.memref_slice %arg8[%add3A_27, %dma_start3A_38] : memref<80x128xi32, #tpu.memory_space<vmem>> -> memref<1x128xi32, #tpu.memory_space<vmem>>
        %dma_start3A_40 = tpu.memref_squeeze %dma_start3A_39 : memref<1x128xi32, #tpu.memory_space<vmem>> -> memref<128xi32, #tpu.memory_space<vmem>>
        %dma_start3A_41 = arith.constant 0 : i32
        %dma_start3A_42 = arith.constant 0 : i32
        %dma_start3A_43 = tpu.memref_slice %arg10[%dma_start3A_41, %dma_start3A_42] : memref<10240x128xf32, #tpu.memory_space<vmem_shared>> -> memref<10240x128xf32, #tpu.memory_space<vmem_shared>>
        tpu.enqueue_indirect_dma source(%arg9 : memref<128x128xf32, #tpu.memory_space<vmem>>) target(%dma_start3A_43 : memref<10240x128xf32, #tpu.memory_space<vmem_shared>>) offsets(%dma_start3A_40 : memref<128xi32, #tpu.memory_space<vmem>>) semaphore(%run_scoped3A : memref<!tpu.dma_semaphore, #tpu.memory_space<semaphore_mem>>) {add = true}
        %dma_wait3A_44 = arith.constant 0 : i32
        %dma_wait3A_45 = tpu.memref_slice %arg8[%add3A_27, %dma_wait3A_44] : memref<80x128xi32, #tpu.memory_space<vmem>> -> memref<1x128xi32, #tpu.memory_space<vmem>>
        %dma_wait3A_46 = tpu.memref_squeeze %dma_wait3A_45 : memref<1x128xi32, #tpu.memory_space<vmem>> -> memref<128xi32, #tpu.memory_space<vmem>>
        %dma_wait3A_47 = arith.constant 0 : i32
        %dma_wait3A_48 = arith.constant 0 : i32
        %dma_wait3A_49 = tpu.memref_slice %arg10[%dma_wait3A_47, %dma_wait3A_48] : memref<10240x128xf32, #tpu.memory_space<vmem_shared>> -> memref<10240x128xf32, #tpu.memory_space<vmem_shared>>
        tpu.wait_indirect_dma semaphore(%run_scoped3A : memref<!tpu.dma_semaphore, #tpu.memory_space<semaphore_mem>>) src(%arg9 : memref<128x128xf32, #tpu.memory_space<vmem>>) dst(%dma_wait3A_49 : memref<10240x128xf32, #tpu.memory_space<vmem_shared>>)
        tpu.yield
      }) : () -> ()
    }
    %scan3A_18 = arith.constant 80 : i32
    %barrier3A_19 = arith.constant 0 : index
    tpu.barrier barrier_id(%barrier3A_19)
    %mul3A_20 = arith.constant 10240 : i32
    %mul3A_21 = arith.muli %arg0, %mul3A_20 : i32
    %add3A_22 = arith.addi %mul3A_21, %mul3A_0 : i32
    "tpu.region"() ({
      %run_scoped3A = tpu.sem_alloc : memref<!tpu.dma_semaphore, #tpu.memory_space<semaphore_mem>>
      %dma_start3A = arith.constant 0 : i32
      %dma_start3A_23 = tpu.memref_slice %arg6[%add3A_22, %dma_start3A] : memref<20480x128xf32, #tpu.memory_space<hbm>> -> memref<640x128xf32, #tpu.memory_space<hbm>>
      %dma_start3A_24 = arith.constant 0 : i32
      %dma_start3A_25 = tpu.memref_slice %arg10[%mul3A_0, %dma_start3A_24] : memref<10240x128xf32, #tpu.memory_space<vmem_shared>> -> memref<640x128xf32, #tpu.memory_space<vmem_shared>>
      tpu.enqueue_dma source(%dma_start3A_25 : memref<640x128xf32, #tpu.memory_space<vmem_shared>>) target(%dma_start3A_23 : memref<640x128xf32, #tpu.memory_space<hbm>>) target_semaphore(%run_scoped3A : memref<!tpu.dma_semaphore, #tpu.memory_space<semaphore_mem>>)
      %dma_wait3A = arith.constant 0 : i32
      %dma_wait3A_26 = tpu.memref_slice %arg6[%add3A_22, %dma_wait3A] : memref<20480x128xf32, #tpu.memory_space<hbm>> -> memref<640x128xf32, #tpu.memory_space<hbm>>
      %dma_wait3A_27 = arith.constant 0 : i32
      %dma_wait3A_28 = tpu.memref_slice %arg10[%mul3A_0, %dma_wait3A_27] : memref<10240x128xf32, #tpu.memory_space<vmem_shared>> -> memref<640x128xf32, #tpu.memory_space<vmem_shared>>
      tpu.wait_dma2 semaphore(%run_scoped3A : memref<!tpu.dma_semaphore, #tpu.memory_space<semaphore_mem>>) src(%dma_wait3A_28 : memref<640x128xf32, #tpu.memory_space<vmem_shared>>) dst(%dma_wait3A_26 : memref<640x128xf32, #tpu.memory_space<hbm>>)
      tpu.yield
    }) : () -> ()
    return
  }
}

module attributes {stable_mosaic.version = 14 : i64} {
  func.func @body(%arg0: i32, %arg1: memref<1024x128xf32, #tpu.memory_space<vmem>>, %arg2: memref<128x128xf32, #tpu.memory_space<vmem>>, %arg3: memref<1x128xf32, #tpu.memory_space<vmem>>, %arg4: memref<1024x128xf32, #tpu.memory_space<vmem>>) attributes {dimension_semantics = [#tpu.dimension_semantics<arbitrary>], iteration_bounds = array<i64: 10>, scalar_prefetch = 0 : i64, scratch_operands = 0 : i64, tpu.core_type = #tpu.core_type<tc>, window_params = [{transform_indices = @transform_0, window_bounds = array<i64: 1024, 128>}, {pipeline_mode = #tpu.pipeline_mode<synchronous>, transform_indices = @transform_1, window_bounds = array<i64: 128, 128>}, {pipeline_mode = #tpu.pipeline_mode<synchronous>, transform_indices = @transform_2, window_bounds = array<i64: 1, 128>}, {transform_indices = @transform_3, window_bounds = array<i64: 1024, 128>}]} {
    %get3A = arith.constant 0 : index
    %get3A_0 = arith.constant 0 : index
    %get3A_1 = vector.load %arg1[%get3A, %get3A_0] : memref<1024x128xf32, #tpu.memory_space<vmem>>, vector<1024x128xf32>
    %get3A_2 = arith.constant 0 : index
    %get3A_3 = arith.constant 0 : index
    %get3A_4 = vector.load %arg2[%get3A_2, %get3A_3] : memref<128x128xf32, #tpu.memory_space<vmem>>, vector<128x128xf32>
    %dot_general3A = arith.constant dense<0.000000e+00> : vector<1024x128xf32>
    %dot_general3A_5 = tpu.matmul %get3A_1, %get3A_4, %dot_general3A {dimension_numbers = #tpu.dot_dimension_numbers<[1], [0], [0], [1], [0, 0, 1, 1], [], []>, transpose_lhs_hint = false} : vector<1024x128xf32>, vector<128x128xf32>, vector<1024x128xf32> -> vector<1024x128xf32>
    %get3A_6 = arith.constant 0 : index
    %get3A_7 = arith.constant 0 : index
    %get3A_8 = vector.load %arg3[%get3A_6, %get3A_7] : memref<1x128xf32, #tpu.memory_space<vmem>>, vector<1x128xf32>
    %add3A = vector.broadcast %get3A_8 : vector<1x128xf32> to vector<1024x128xf32>
    %add3A_9 = arith.addf %dot_general3A_5, %add3A : vector<1024x128xf32>
    %max3A = arith.constant 0.000000e+00 : f32
    %max3A_10 = vector.broadcast %max3A : f32 to vector<1024x128xf32>
    %max3A_11 = arith.maximumf %add3A_9, %max3A_10 : vector<1024x128xf32>
    %swap3A = arith.constant 0 : index
    %swap3A_12 = arith.constant 0 : index
    %swap3A_13 = vector.load %arg4[%swap3A, %swap3A_12] : memref<1024x128xf32, #tpu.memory_space<vmem>>, vector<1024x128xf32>
    tpu.vector_store %arg4[%swap3A, %swap3A_12], %max3A_11 {strides = array<i32>} : memref<1024x128xf32, #tpu.memory_space<vmem>>, vector<1024x128xf32>,
    %eq3A = arith.constant 9 : i32
    %eq3A_14 = arith.cmpi eq, %arg0, %eq3A : i32
    %convert_element_type3A = arith.extui %eq3A_14 : i1 to i32
    %cond3A = arith.constant 0 : i32
    %cond3A_15 = arith.cmpi ne, %convert_element_type3A, %cond3A : i32
    scf.if %cond3A_15 {
      %broadcast_in_dim3A = arith.constant 0.000000e+00 : f32
      %broadcast_in_dim3A_16 = vector.broadcast %broadcast_in_dim3A : f32 to vector<240x128xf32>
      %swap3A_17 = arith.constant 784 : index
      %swap3A_18 = arith.constant 0 : index
      %swap3A_19 = vector.load %arg4[%swap3A_17, %swap3A_18] : memref<1024x128xf32, #tpu.memory_space<vmem>>, vector<240x128xf32>
      tpu.vector_store %arg4[%swap3A_17, %swap3A_18], %broadcast_in_dim3A_16 {strides = array<i32>} : memref<1024x128xf32, #tpu.memory_space<vmem>>, vector<240x128xf32>,
    } else {
    }
    return
  }
  func.func @transform_0(%arg0: i32) -> (i32, i32) {
    %c0_i32 = arith.constant 0 : i32
    %c0_i32_0 = arith.constant 0 : i32
    return %arg0, %c0_i32 : i32, i32
  }
  func.func @transform_1(%arg0: i32) -> (i32, i32) {
    %c0_i32 = arith.constant 0 : i32
    %c0_i32_0 = arith.constant 0 : i32
    %c0_i32_1 = arith.constant 0 : i32
    return %c0_i32, %c0_i32_0 : i32, i32
  }
  func.func @transform_2(%arg0: i32) -> (i32, i32) {
    %c0_i32 = arith.constant 0 : i32
    %c0_i32_0 = arith.constant 0 : i32
    %c0_i32_1 = arith.constant 0 : i32
    return %c0_i32, %c0_i32_0 : i32, i32
  }
  func.func @transform_3(%arg0: i32) -> (i32, i32) {
    %c0_i32 = arith.constant 0 : i32
    %c0_i32_0 = arith.constant 0 : i32
    return %arg0, %c0_i32 : i32, i32
  }
}

module attributes {stable_mosaic.version = 14 : i64} {
  func.func @body(%arg0: i32, %arg1: memref<2x1024x128xf32, #tpu.memory_space<vmem>>, %arg2: memref<32x1024xf32, #tpu.memory_space<vmem>>, %arg3: memref<1024x128xf32, #tpu.memory_space<vmem>>, %arg4: memref<128x128xf32, #tpu.memory_space<vmem>>, %arg5: memref<1x128xf32, #tpu.memory_space<vmem>>, %arg6: memref<128x128xf32, #tpu.memory_space<vmem>>, %arg7: memref<128x128xf32, #tpu.memory_space<vmem>>, %arg8: memref<1x128xf32, #tpu.memory_space<vmem>>, %arg9: memref<1024x128xf32, #tpu.memory_space<vmem>>, %arg10: memref<1024x128xf32, #tpu.memory_space<vmem>>) attributes {dimension_semantics = [#tpu.dimension_semantics<arbitrary>], iteration_bounds = array<i64: 10>, scalar_prefetch = 0 : i64, scratch_operands = 0 : i64, tpu.core_type = #tpu.core_type<tc>, window_params = [{transform_indices = @transform_0, window_bounds = array<i64: 2, 1024, 128>}, {transform_indices = @transform_1, window_bounds = array<i64: 32, 1024>}, {transform_indices = @transform_2, window_bounds = array<i64: 1024, 128>}, {pipeline_mode = #tpu.pipeline_mode<synchronous>, transform_indices = @transform_3, window_bounds = array<i64: 128, 128>}, {pipeline_mode = #tpu.pipeline_mode<synchronous>, transform_indices = @transform_4, window_bounds = array<i64: 1, 128>}, {pipeline_mode = #tpu.pipeline_mode<synchronous>, transform_indices = @transform_5, window_bounds = array<i64: 128, 128>}, {pipeline_mode = #tpu.pipeline_mode<synchronous>, transform_indices = @transform_6, window_bounds = array<i64: 128, 128>}, {pipeline_mode = #tpu.pipeline_mode<synchronous>, transform_indices = @transform_7, window_bounds = array<i64: 1, 128>}, {transform_indices = @transform_8, window_bounds = array<i64: 1024, 128>}, {transform_indices = @transform_9, window_bounds = array<i64: 1024, 128>}]} {
    %get3A = arith.constant 0 : index
    %get3A_0 = arith.constant 0 : index
    %get3A_1 = arith.constant 0 : index
    %get3A_2 = vector.load %arg1[%get3A, %get3A_0, %get3A_1] : memref<2x1024x128xf32, #tpu.memory_space<vmem>>, vector<1x1024x128xf32>
    %get3A_3 = vector.shape_cast %get3A_2 : vector<1x1024x128xf32> to vector<1024x128xf32>
    %get3A_4 = arith.constant 1 : index
    %get3A_5 = arith.constant 0 : index
    %get3A_6 = arith.constant 0 : index
    %get3A_7 = vector.load %arg1[%get3A_4, %get3A_5, %get3A_6] : memref<2x1024x128xf32, #tpu.memory_space<vmem>>, vector<1x1024x128xf32>
    %get3A_8 = vector.shape_cast %get3A_7 : vector<1x1024x128xf32> to vector<1024x128xf32>
    %add3A = arith.addf %get3A_3, %get3A_8 : vector<1024x128xf32>
    %get3A_9 = arith.constant 0 : index
    %get3A_10 = arith.constant 0 : index
    %get3A_11 = vector.load %arg2[%get3A_9, %get3A_10] : memref<32x1024xf32, #tpu.memory_space<vmem>>, vector<32x1024xf32>
    %reduce_sum3A = arith.constant dense<0.000000e+00> : vector<1024xf32>
    %reduce_sum3A_12 = vector.multi_reduction <add>, %get3A_11, %reduce_sum3A [0] : vector<32x1024xf32> to vector<1024xf32>
    %iota3A = tpu.iota {dimensions = array<i32: 0>} : vector<128x128xi32>
    %iota3A_13 = tpu.iota {dimensions = array<i32: 1>} : vector<128x128xi32>
    %add3A_14 = arith.constant 0 : i32
    %add3A_15 = vector.broadcast %add3A_14 : i32 to vector<128x128xi32>
    %add3A_16 = arith.addi %iota3A, %add3A_15 : vector<128x128xi32>
    %eq3A = arith.cmpi eq, %add3A_16, %iota3A_13 : vector<128x128xi32>
    %convert_element_type3A = arith.extui %eq3A : vector<128x128xi1> to vector<128x128xi32>
    %convert_element_type3A_17 = arith.sitofp %convert_element_type3A : vector<128x128xi32> to vector<128x128xf32>
    %slice3A = vector.extract_strided_slice %reduce_sum3A_12 {offsets = [0], sizes = [128], strides = [1]} : vector<1024xf32> to vector<128xf32>
    %broadcast_in_dim3A = vector.shape_cast %slice3A : vector<128xf32> to vector<1x128xf32>
    %mul3A = vector.broadcast %broadcast_in_dim3A : vector<1x128xf32> to vector<128x128xf32>
    %mul3A_18 = arith.mulf %convert_element_type3A_17, %mul3A : vector<128x128xf32>
    %reduce_sum3A_19 = arith.constant dense<0.000000e+00> : vector<128xf32>
    %reduce_sum3A_20 = vector.multi_reduction <add>, %mul3A_18, %reduce_sum3A_19 [1] : vector<128x128xf32> to vector<128xf32>
    %broadcast_in_dim3A_21 = vector.shape_cast %reduce_sum3A_20 : vector<128xf32> to vector<128x1xf32>
    %slice3A_22 = vector.extract_strided_slice %reduce_sum3A_12 {offsets = [128], sizes = [128], strides = [1]} : vector<1024xf32> to vector<128xf32>
    %broadcast_in_dim3A_23 = vector.shape_cast %slice3A_22 : vector<128xf32> to vector<1x128xf32>
    %mul3A_24 = vector.broadcast %broadcast_in_dim3A_23 : vector<1x128xf32> to vector<128x128xf32>
    %mul3A_25 = arith.mulf %convert_element_type3A_17, %mul3A_24 : vector<128x128xf32>
    %reduce_sum3A_26 = arith.constant dense<0.000000e+00> : vector<128xf32>
    %reduce_sum3A_27 = vector.multi_reduction <add>, %mul3A_25, %reduce_sum3A_26 [1] : vector<128x128xf32> to vector<128xf32>
    %broadcast_in_dim3A_28 = vector.shape_cast %reduce_sum3A_27 : vector<128xf32> to vector<128x1xf32>
    %slice3A_29 = vector.extract_strided_slice %reduce_sum3A_12 {offsets = [256], sizes = [128], strides = [1]} : vector<1024xf32> to vector<128xf32>
    %broadcast_in_dim3A_30 = vector.shape_cast %slice3A_29 : vector<128xf32> to vector<1x128xf32>
    %mul3A_31 = vector.broadcast %broadcast_in_dim3A_30 : vector<1x128xf32> to vector<128x128xf32>
    %mul3A_32 = arith.mulf %convert_element_type3A_17, %mul3A_31 : vector<128x128xf32>
    %reduce_sum3A_33 = arith.constant dense<0.000000e+00> : vector<128xf32>
    %reduce_sum3A_34 = vector.multi_reduction <add>, %mul3A_32, %reduce_sum3A_33 [1] : vector<128x128xf32> to vector<128xf32>
    %broadcast_in_dim3A_35 = vector.shape_cast %reduce_sum3A_34 : vector<128xf32> to vector<128x1xf32>
    %slice3A_36 = vector.extract_strided_slice %reduce_sum3A_12 {offsets = [384], sizes = [128], strides = [1]} : vector<1024xf32> to vector<128xf32>
    %broadcast_in_dim3A_37 = vector.shape_cast %slice3A_36 : vector<128xf32> to vector<1x128xf32>
    %mul3A_38 = vector.broadcast %broadcast_in_dim3A_37 : vector<1x128xf32> to vector<128x128xf32>
    %mul3A_39 = arith.mulf %convert_element_type3A_17, %mul3A_38 : vector<128x128xf32>
    %reduce_sum3A_40 = arith.constant dense<0.000000e+00> : vector<128xf32>
    %reduce_sum3A_41 = vector.multi_reduction <add>, %mul3A_39, %reduce_sum3A_40 [1] : vector<128x128xf32> to vector<128xf32>
    %broadcast_in_dim3A_42 = vector.shape_cast %reduce_sum3A_41 : vector<128xf32> to vector<128x1xf32>
    %slice3A_43 = vector.extract_strided_slice %reduce_sum3A_12 {offsets = [512], sizes = [128], strides = [1]} : vector<1024xf32> to vector<128xf32>
    %broadcast_in_dim3A_44 = vector.shape_cast %slice3A_43 : vector<128xf32> to vector<1x128xf32>
    %mul3A_45 = vector.broadcast %broadcast_in_dim3A_44 : vector<1x128xf32> to vector<128x128xf32>
    %mul3A_46 = arith.mulf %convert_element_type3A_17, %mul3A_45 : vector<128x128xf32>
    %reduce_sum3A_47 = arith.constant dense<0.000000e+00> : vector<128xf32>
    %reduce_sum3A_48 = vector.multi_reduction <add>, %mul3A_46, %reduce_sum3A_47 [1] : vector<128x128xf32> to vector<128xf32>
    %broadcast_in_dim3A_49 = vector.shape_cast %reduce_sum3A_48 : vector<128xf32> to vector<128x1xf32>
    %slice3A_50 = vector.extract_strided_slice %reduce_sum3A_12 {offsets = [640], sizes = [128], strides = [1]} : vector<1024xf32> to vector<128xf32>
    %broadcast_in_dim3A_51 = vector.shape_cast %slice3A_50 : vector<128xf32> to vector<1x128xf32>
    %mul3A_52 = vector.broadcast %broadcast_in_dim3A_51 : vector<1x128xf32> to vector<128x128xf32>
    %mul3A_53 = arith.mulf %convert_element_type3A_17, %mul3A_52 : vector<128x128xf32>
    %reduce_sum3A_54 = arith.constant dense<0.000000e+00> : vector<128xf32>
    %reduce_sum3A_55 = vector.multi_reduction <add>, %mul3A_53, %reduce_sum3A_54 [1] : vector<128x128xf32> to vector<128xf32>
    %broadcast_in_dim3A_56 = vector.shape_cast %reduce_sum3A_55 : vector<128xf32> to vector<128x1xf32>
    %slice3A_57 = vector.extract_strided_slice %reduce_sum3A_12 {offsets = [768], sizes = [128], strides = [1]} : vector<1024xf32> to vector<128xf32>
    %broadcast_in_dim3A_58 = vector.shape_cast %slice3A_57 : vector<128xf32> to vector<1x128xf32>
    %mul3A_59 = vector.broadcast %broadcast_in_dim3A_58 : vector<1x128xf32> to vector<128x128xf32>
    %mul3A_60 = arith.mulf %convert_element_type3A_17, %mul3A_59 : vector<128x128xf32>
    %reduce_sum3A_61 = arith.constant dense<0.000000e+00> : vector<128xf32>
    %reduce_sum3A_62 = vector.multi_reduction <add>, %mul3A_60, %reduce_sum3A_61 [1] : vector<128x128xf32> to vector<128xf32>
    %broadcast_in_dim3A_63 = vector.shape_cast %reduce_sum3A_62 : vector<128xf32> to vector<128x1xf32>
    %slice3A_64 = vector.extract_strided_slice %reduce_sum3A_12 {offsets = [896], sizes = [128], strides = [1]} : vector<1024xf32> to vector<128xf32>
    %broadcast_in_dim3A_65 = vector.shape_cast %slice3A_64 : vector<128xf32> to vector<1x128xf32>
    %mul3A_66 = vector.broadcast %broadcast_in_dim3A_65 : vector<1x128xf32> to vector<128x128xf32>
    %mul3A_67 = arith.mulf %convert_element_type3A_17, %mul3A_66 : vector<128x128xf32>
    %reduce_sum3A_68 = arith.constant dense<0.000000e+00> : vector<128xf32>
    %reduce_sum3A_69 = vector.multi_reduction <add>, %mul3A_67, %reduce_sum3A_68 [1] : vector<128x128xf32> to vector<128xf32>
    %broadcast_in_dim3A_70 = vector.shape_cast %reduce_sum3A_69 : vector<128xf32> to vector<128x1xf32>
    %concatenate3A = tpu.concatenate %broadcast_in_dim3A_21, %broadcast_in_dim3A_28, %broadcast_in_dim3A_35, %broadcast_in_dim3A_42, %broadcast_in_dim3A_49, %broadcast_in_dim3A_56, %broadcast_in_dim3A_63, %broadcast_in_dim3A_70 in 0 : vector<128x1xf32>, vector<128x1xf32>, vector<128x1xf32>, vector<128x1xf32>, vector<128x1xf32>, vector<128x1xf32>, vector<128x1xf32>, vector<128x1xf32> -> vector<1024x1xf32>
    %max3A = arith.constant 1.000000e+00 : f32
    %max3A_71 = vector.broadcast %max3A : f32 to vector<1024x1xf32>
    %max3A_72 = arith.maximumf %concatenate3A, %max3A_71 : vector<1024x1xf32>
    %div3A = vector.broadcast %max3A_72 : vector<1024x1xf32> to vector<1024x128xf32>
    %div3A_73 = arith.divf %add3A, %div3A : vector<1024x128xf32>
    %get3A_74 = arith.constant 0 : index
    %get3A_75 = arith.constant 0 : index
    %get3A_76 = vector.load %arg4[%get3A_74, %get3A_75] : memref<128x128xf32, #tpu.memory_space<vmem>>, vector<128x128xf32>
    %dot_general3A = arith.constant dense<0.000000e+00> : vector<1024x128xf32>
    %dot_general3A_77 = tpu.matmul %div3A_73, %get3A_76, %dot_general3A {dimension_numbers = #tpu.dot_dimension_numbers<[1], [0], [0], [1], [0, 0, 1, 1], [], []>, transpose_lhs_hint = false} : vector<1024x128xf32>, vector<128x128xf32>, vector<1024x128xf32> -> vector<1024x128xf32>
    %get3A_78 = arith.constant 0 : index
    %get3A_79 = arith.constant 0 : index
    %get3A_80 = vector.load %arg5[%get3A_78, %get3A_79] : memref<1x128xf32, #tpu.memory_space<vmem>>, vector<1x128xf32>
    %add3A_81 = vector.broadcast %get3A_80 : vector<1x128xf32> to vector<1024x128xf32>
    %add3A_82 = arith.addf %dot_general3A_77, %add3A_81 : vector<1024x128xf32>
    %get3A_83 = arith.constant 0 : index
    %get3A_84 = arith.constant 0 : index
    %get3A_85 = vector.load %arg3[%get3A_83, %get3A_84] : memref<1024x128xf32, #tpu.memory_space<vmem>>, vector<1024x128xf32>
    %get3A_86 = arith.constant 0 : index
    %get3A_87 = arith.constant 0 : index
    %get3A_88 = vector.load %arg6[%get3A_86, %get3A_87] : memref<128x128xf32, #tpu.memory_space<vmem>>, vector<128x128xf32>
    %dot_general3A_89 = arith.constant dense<0.000000e+00> : vector<1024x128xf32>
    %dot_general3A_90 = tpu.matmul %get3A_85, %get3A_88, %dot_general3A_89 {dimension_numbers = #tpu.dot_dimension_numbers<[1], [0], [0], [1], [0, 0, 1, 1], [], []>, transpose_lhs_hint = false} : vector<1024x128xf32>, vector<128x128xf32>, vector<1024x128xf32> -> vector<1024x128xf32>
    %add3A_91 = arith.addf %add3A_82, %dot_general3A_90 : vector<1024x128xf32>
    %mul3A_92 = arith.mulf %add3A_91, %add3A_91 : vector<1024x128xf32>
    %reduce_sum3A_93 = arith.constant dense<0.000000e+00> : vector<1024xf32>
    %reduce_sum3A_94 = vector.multi_reduction <add>, %mul3A_92, %reduce_sum3A_93 [1] : vector<1024x128xf32> to vector<1024xf32>
    %broadcast_in_dim3A_95 = vector.shape_cast %reduce_sum3A_94 : vector<1024xf32> to vector<1024x1xf32>
    %sqrt3A = math.sqrt %broadcast_in_dim3A_95 : vector<1024x1xf32>
    %max3A_96 = arith.constant 9.99999996E-13 : f32
    %max3A_97 = vector.broadcast %max3A_96 : f32 to vector<1024x1xf32>
    %max3A_98 = arith.maximumf %sqrt3A, %max3A_97 : vector<1024x1xf32>
    %div3A_99 = vector.broadcast %max3A_98 : vector<1024x1xf32> to vector<1024x128xf32>
    %div3A_100 = arith.divf %add3A_91, %div3A_99 : vector<1024x128xf32>
    %max3A_101 = arith.constant 0.000000e+00 : f32
    %max3A_102 = vector.broadcast %max3A_101 : f32 to vector<1024x128xf32>
    %max3A_103 = arith.maximumf %div3A_100, %max3A_102 : vector<1024x128xf32>
    %swap3A = arith.constant 0 : index
    %swap3A_104 = arith.constant 0 : index
    %swap3A_105 = vector.load %arg9[%swap3A, %swap3A_104] : memref<1024x128xf32, #tpu.memory_space<vmem>>, vector<1024x128xf32>
    tpu.vector_store %arg9[%swap3A, %swap3A_104], %max3A_103 {strides = array<i32>} : memref<1024x128xf32, #tpu.memory_space<vmem>>, vector<1024x128xf32>,
    %get3A_106 = arith.constant 0 : index
    %get3A_107 = arith.constant 0 : index
    %get3A_108 = vector.load %arg7[%get3A_106, %get3A_107] : memref<128x128xf32, #tpu.memory_space<vmem>>, vector<128x128xf32>
    %dot_general3A_109 = arith.constant dense<0.000000e+00> : vector<1024x128xf32>
    %dot_general3A_110 = tpu.matmul %max3A_103, %get3A_108, %dot_general3A_109 {dimension_numbers = #tpu.dot_dimension_numbers<[1], [0], [0], [1], [0, 0, 1, 1], [], []>, transpose_lhs_hint = false} : vector<1024x128xf32>, vector<128x128xf32>, vector<1024x128xf32> -> vector<1024x128xf32>
    %get3A_111 = arith.constant 0 : index
    %get3A_112 = arith.constant 0 : index
    %get3A_113 = vector.load %arg8[%get3A_111, %get3A_112] : memref<1x128xf32, #tpu.memory_space<vmem>>, vector<1x128xf32>
    %add3A_114 = vector.broadcast %get3A_113 : vector<1x128xf32> to vector<1024x128xf32>
    %add3A_115 = arith.addf %dot_general3A_110, %add3A_114 : vector<1024x128xf32>
    %max3A_116 = arith.constant 0.000000e+00 : f32
    %max3A_117 = vector.broadcast %max3A_116 : f32 to vector<1024x128xf32>
    %max3A_118 = arith.maximumf %add3A_115, %max3A_117 : vector<1024x128xf32>
    %swap3A_119 = arith.constant 0 : index
    %swap3A_120 = arith.constant 0 : index
    %swap3A_121 = vector.load %arg10[%swap3A_119, %swap3A_120] : memref<1024x128xf32, #tpu.memory_space<vmem>>, vector<1024x128xf32>
    tpu.vector_store %arg10[%swap3A_119, %swap3A_120], %max3A_118 {strides = array<i32>} : memref<1024x128xf32, #tpu.memory_space<vmem>>, vector<1024x128xf32>,
    %eq3A_122 = arith.constant 9 : i32
    %eq3A_123 = arith.cmpi eq, %arg0, %eq3A_122 : i32
    %convert_element_type3A_124 = arith.extui %eq3A_123 : i1 to i32
    %cond3A = arith.constant 0 : i32
    %cond3A_125 = arith.cmpi ne, %convert_element_type3A_124, %cond3A : i32
    scf.if %cond3A_125 {
      %broadcast_in_dim3A_126 = arith.constant 0.000000e+00 : f32
      %broadcast_in_dim3A_127 = vector.broadcast %broadcast_in_dim3A_126 : f32 to vector<240x128xf32>
      %swap3A_128 = arith.constant 784 : index
      %swap3A_129 = arith.constant 0 : index
      %swap3A_130 = vector.load %arg9[%swap3A_128, %swap3A_129] : memref<1024x128xf32, #tpu.memory_space<vmem>>, vector<240x128xf32>
      tpu.vector_store %arg9[%swap3A_128, %swap3A_129], %broadcast_in_dim3A_127 {strides = array<i32>} : memref<1024x128xf32, #tpu.memory_space<vmem>>, vector<240x128xf32>,
      %swap3A_131 = arith.constant 784 : index
      %swap3A_132 = arith.constant 0 : index
      %swap3A_133 = vector.load %arg10[%swap3A_131, %swap3A_132] : memref<1024x128xf32, #tpu.memory_space<vmem>>, vector<240x128xf32>
      tpu.vector_store %arg10[%swap3A_131, %swap3A_132], %broadcast_in_dim3A_127 {strides = array<i32>} : memref<1024x128xf32, #tpu.memory_space<vmem>>, vector<240x128xf32>,
    } else {
    }
    return
  }
  func.func @transform_0(%arg0: i32) -> (i32, i32, i32) {
    %c0_i32 = arith.constant 0 : i32
    %c0_i32_0 = arith.constant 0 : i32
    %c0_i32_1 = arith.constant 0 : i32
    return %c0_i32, %arg0, %c0_i32_0 : i32, i32, i32
  }
  func.func @transform_1(%arg0: i32) -> (i32, i32) {
    %c0_i32 = arith.constant 0 : i32
    %c0_i32_0 = arith.constant 0 : i32
    return %c0_i32, %arg0 : i32, i32
  }
  func.func @transform_2(%arg0: i32) -> (i32, i32) {
    %c0_i32 = arith.constant 0 : i32
    %c0_i32_0 = arith.constant 0 : i32
    return %arg0, %c0_i32 : i32, i32
  }
  func.func @transform_3(%arg0: i32) -> (i32, i32) {
    %c0_i32 = arith.constant 0 : i32
    %c0_i32_0 = arith.constant 0 : i32
    %c0_i32_1 = arith.constant 0 : i32
    return %c0_i32, %c0_i32_0 : i32, i32
  }
  func.func @transform_4(%arg0: i32) -> (i32, i32) {
    %c0_i32 = arith.constant 0 : i32
    %c0_i32_0 = arith.constant 0 : i32
    %c0_i32_1 = arith.constant 0 : i32
    return %c0_i32, %c0_i32_0 : i32, i32
  }
  func.func @transform_5(%arg0: i32) -> (i32, i32) {
    %c0_i32 = arith.constant 0 : i32
    %c0_i32_0 = arith.constant 0 : i32
    %c0_i32_1 = arith.constant 0 : i32
    return %c0_i32, %c0_i32_0 : i32, i32
  }
  func.func @transform_6(%arg0: i32) -> (i32, i32) {
    %c0_i32 = arith.constant 0 : i32
    %c0_i32_0 = arith.constant 0 : i32
    %c0_i32_1 = arith.constant 0 : i32
    return %c0_i32, %c0_i32_0 : i32, i32
  }
  func.func @transform_7(%arg0: i32) -> (i32, i32) {
    %c0_i32 = arith.constant 0 : i32
    %c0_i32_0 = arith.constant 0 : i32
    %c0_i32_1 = arith.constant 0 : i32
    return %c0_i32, %c0_i32_0 : i32, i32
  }
  func.func @transform_8(%arg0: i32) -> (i32, i32) {
    %c0_i32 = arith.constant 0 : i32
    %c0_i32_0 = arith.constant 0 : i32
    return %arg0, %c0_i32 : i32, i32
  }
  func.func @transform_9(%arg0: i32) -> (i32, i32) {
    %c0_i32 = arith.constant 0 : i32
    %c0_i32_0 = arith.constant 0 : i32
    return %arg0, %c0_i32 : i32, i32
  }
}

module attributes {stable_mosaic.version = 14 : i64} {
  func.func @body(%arg0: i32, %arg1: memref<2x1024x128xf32, #tpu.memory_space<vmem>>, %arg2: memref<32x1024xf32, #tpu.memory_space<vmem>>, %arg3: memref<1024x128xf32, #tpu.memory_space<vmem>>, %arg4: memref<128x128xf32, #tpu.memory_space<vmem>>, %arg5: memref<1x128xf32, #tpu.memory_space<vmem>>, %arg6: memref<128x128xf32, #tpu.memory_space<vmem>>, %arg7: memref<1024x128xf32, #tpu.memory_space<vmem>>) attributes {dimension_semantics = [#tpu.dimension_semantics<arbitrary>], iteration_bounds = array<i64: 10>, scalar_prefetch = 0 : i64, scratch_operands = 0 : i64, tpu.core_type = #tpu.core_type<tc>, window_params = [{transform_indices = @transform_0, window_bounds = array<i64: 2, 1024, 128>}, {transform_indices = @transform_1, window_bounds = array<i64: 32, 1024>}, {transform_indices = @transform_2, window_bounds = array<i64: 1024, 128>}, {pipeline_mode = #tpu.pipeline_mode<synchronous>, transform_indices = @transform_3, window_bounds = array<i64: 128, 128>}, {pipeline_mode = #tpu.pipeline_mode<synchronous>, transform_indices = @transform_4, window_bounds = array<i64: 1, 128>}, {pipeline_mode = #tpu.pipeline_mode<synchronous>, transform_indices = @transform_5, window_bounds = array<i64: 128, 128>}, {transform_indices = @transform_6, window_bounds = array<i64: 1024, 128>}]} {
    %get3A = arith.constant 0 : index
    %get3A_0 = arith.constant 0 : index
    %get3A_1 = arith.constant 0 : index
    %get3A_2 = vector.load %arg1[%get3A, %get3A_0, %get3A_1] : memref<2x1024x128xf32, #tpu.memory_space<vmem>>, vector<1x1024x128xf32>
    %get3A_3 = vector.shape_cast %get3A_2 : vector<1x1024x128xf32> to vector<1024x128xf32>
    %get3A_4 = arith.constant 1 : index
    %get3A_5 = arith.constant 0 : index
    %get3A_6 = arith.constant 0 : index
    %get3A_7 = vector.load %arg1[%get3A_4, %get3A_5, %get3A_6] : memref<2x1024x128xf32, #tpu.memory_space<vmem>>, vector<1x1024x128xf32>
    %get3A_8 = vector.shape_cast %get3A_7 : vector<1x1024x128xf32> to vector<1024x128xf32>
    %add3A = arith.addf %get3A_3, %get3A_8 : vector<1024x128xf32>
    %get3A_9 = arith.constant 0 : index
    %get3A_10 = arith.constant 0 : index
    %get3A_11 = vector.load %arg2[%get3A_9, %get3A_10] : memref<32x1024xf32, #tpu.memory_space<vmem>>, vector<32x1024xf32>
    %reduce_sum3A = arith.constant dense<0.000000e+00> : vector<1024xf32>
    %reduce_sum3A_12 = vector.multi_reduction <add>, %get3A_11, %reduce_sum3A [0] : vector<32x1024xf32> to vector<1024xf32>
    %iota3A = tpu.iota {dimensions = array<i32: 0>} : vector<128x128xi32>
    %iota3A_13 = tpu.iota {dimensions = array<i32: 1>} : vector<128x128xi32>
    %add3A_14 = arith.constant 0 : i32
    %add3A_15 = vector.broadcast %add3A_14 : i32 to vector<128x128xi32>
    %add3A_16 = arith.addi %iota3A, %add3A_15 : vector<128x128xi32>
    %eq3A = arith.cmpi eq, %add3A_16, %iota3A_13 : vector<128x128xi32>
    %convert_element_type3A = arith.extui %eq3A : vector<128x128xi1> to vector<128x128xi32>
    %convert_element_type3A_17 = arith.sitofp %convert_element_type3A : vector<128x128xi32> to vector<128x128xf32>
    %slice3A = vector.extract_strided_slice %reduce_sum3A_12 {offsets = [0], sizes = [128], strides = [1]} : vector<1024xf32> to vector<128xf32>
    %broadcast_in_dim3A = vector.shape_cast %slice3A : vector<128xf32> to vector<1x128xf32>
    %mul3A = vector.broadcast %broadcast_in_dim3A : vector<1x128xf32> to vector<128x128xf32>
    %mul3A_18 = arith.mulf %convert_element_type3A_17, %mul3A : vector<128x128xf32>
    %reduce_sum3A_19 = arith.constant dense<0.000000e+00> : vector<128xf32>
    %reduce_sum3A_20 = vector.multi_reduction <add>, %mul3A_18, %reduce_sum3A_19 [1] : vector<128x128xf32> to vector<128xf32>
    %broadcast_in_dim3A_21 = vector.shape_cast %reduce_sum3A_20 : vector<128xf32> to vector<128x1xf32>
    %slice3A_22 = vector.extract_strided_slice %reduce_sum3A_12 {offsets = [128], sizes = [128], strides = [1]} : vector<1024xf32> to vector<128xf32>
    %broadcast_in_dim3A_23 = vector.shape_cast %slice3A_22 : vector<128xf32> to vector<1x128xf32>
    %mul3A_24 = vector.broadcast %broadcast_in_dim3A_23 : vector<1x128xf32> to vector<128x128xf32>
    %mul3A_25 = arith.mulf %convert_element_type3A_17, %mul3A_24 : vector<128x128xf32>
    %reduce_sum3A_26 = arith.constant dense<0.000000e+00> : vector<128xf32>
    %reduce_sum3A_27 = vector.multi_reduction <add>, %mul3A_25, %reduce_sum3A_26 [1] : vector<128x128xf32> to vector<128xf32>
    %broadcast_in_dim3A_28 = vector.shape_cast %reduce_sum3A_27 : vector<128xf32> to vector<128x1xf32>
    %slice3A_29 = vector.extract_strided_slice %reduce_sum3A_12 {offsets = [256], sizes = [128], strides = [1]} : vector<1024xf32> to vector<128xf32>
    %broadcast_in_dim3A_30 = vector.shape_cast %slice3A_29 : vector<128xf32> to vector<1x128xf32>
    %mul3A_31 = vector.broadcast %broadcast_in_dim3A_30 : vector<1x128xf32> to vector<128x128xf32>
    %mul3A_32 = arith.mulf %convert_element_type3A_17, %mul3A_31 : vector<128x128xf32>
    %reduce_sum3A_33 = arith.constant dense<0.000000e+00> : vector<128xf32>
    %reduce_sum3A_34 = vector.multi_reduction <add>, %mul3A_32, %reduce_sum3A_33 [1] : vector<128x128xf32> to vector<128xf32>
    %broadcast_in_dim3A_35 = vector.shape_cast %reduce_sum3A_34 : vector<128xf32> to vector<128x1xf32>
    %slice3A_36 = vector.extract_strided_slice %reduce_sum3A_12 {offsets = [384], sizes = [128], strides = [1]} : vector<1024xf32> to vector<128xf32>
    %broadcast_in_dim3A_37 = vector.shape_cast %slice3A_36 : vector<128xf32> to vector<1x128xf32>
    %mul3A_38 = vector.broadcast %broadcast_in_dim3A_37 : vector<1x128xf32> to vector<128x128xf32>
    %mul3A_39 = arith.mulf %convert_element_type3A_17, %mul3A_38 : vector<128x128xf32>
    %reduce_sum3A_40 = arith.constant dense<0.000000e+00> : vector<128xf32>
    %reduce_sum3A_41 = vector.multi_reduction <add>, %mul3A_39, %reduce_sum3A_40 [1] : vector<128x128xf32> to vector<128xf32>
    %broadcast_in_dim3A_42 = vector.shape_cast %reduce_sum3A_41 : vector<128xf32> to vector<128x1xf32>
    %slice3A_43 = vector.extract_strided_slice %reduce_sum3A_12 {offsets = [512], sizes = [128], strides = [1]} : vector<1024xf32> to vector<128xf32>
    %broadcast_in_dim3A_44 = vector.shape_cast %slice3A_43 : vector<128xf32> to vector<1x128xf32>
    %mul3A_45 = vector.broadcast %broadcast_in_dim3A_44 : vector<1x128xf32> to vector<128x128xf32>
    %mul3A_46 = arith.mulf %convert_element_type3A_17, %mul3A_45 : vector<128x128xf32>
    %reduce_sum3A_47 = arith.constant dense<0.000000e+00> : vector<128xf32>
    %reduce_sum3A_48 = vector.multi_reduction <add>, %mul3A_46, %reduce_sum3A_47 [1] : vector<128x128xf32> to vector<128xf32>
    %broadcast_in_dim3A_49 = vector.shape_cast %reduce_sum3A_48 : vector<128xf32> to vector<128x1xf32>
    %slice3A_50 = vector.extract_strided_slice %reduce_sum3A_12 {offsets = [640], sizes = [128], strides = [1]} : vector<1024xf32> to vector<128xf32>
    %broadcast_in_dim3A_51 = vector.shape_cast %slice3A_50 : vector<128xf32> to vector<1x128xf32>
    %mul3A_52 = vector.broadcast %broadcast_in_dim3A_51 : vector<1x128xf32> to vector<128x128xf32>
    %mul3A_53 = arith.mulf %convert_element_type3A_17, %mul3A_52 : vector<128x128xf32>
    %reduce_sum3A_54 = arith.constant dense<0.000000e+00> : vector<128xf32>
    %reduce_sum3A_55 = vector.multi_reduction <add>, %mul3A_53, %reduce_sum3A_54 [1] : vector<128x128xf32> to vector<128xf32>
    %broadcast_in_dim3A_56 = vector.shape_cast %reduce_sum3A_55 : vector<128xf32> to vector<128x1xf32>
    %slice3A_57 = vector.extract_strided_slice %reduce_sum3A_12 {offsets = [768], sizes = [128], strides = [1]} : vector<1024xf32> to vector<128xf32>
    %broadcast_in_dim3A_58 = vector.shape_cast %slice3A_57 : vector<128xf32> to vector<1x128xf32>
    %mul3A_59 = vector.broadcast %broadcast_in_dim3A_58 : vector<1x128xf32> to vector<128x128xf32>
    %mul3A_60 = arith.mulf %convert_element_type3A_17, %mul3A_59 : vector<128x128xf32>
    %reduce_sum3A_61 = arith.constant dense<0.000000e+00> : vector<128xf32>
    %reduce_sum3A_62 = vector.multi_reduction <add>, %mul3A_60, %reduce_sum3A_61 [1] : vector<128x128xf32> to vector<128xf32>
    %broadcast_in_dim3A_63 = vector.shape_cast %reduce_sum3A_62 : vector<128xf32> to vector<128x1xf32>
    %slice3A_64 = vector.extract_strided_slice %reduce_sum3A_12 {offsets = [896], sizes = [128], strides = [1]} : vector<1024xf32> to vector<128xf32>
    %broadcast_in_dim3A_65 = vector.shape_cast %slice3A_64 : vector<128xf32> to vector<1x128xf32>
    %mul3A_66 = vector.broadcast %broadcast_in_dim3A_65 : vector<1x128xf32> to vector<128x128xf32>
    %mul3A_67 = arith.mulf %convert_element_type3A_17, %mul3A_66 : vector<128x128xf32>
    %reduce_sum3A_68 = arith.constant dense<0.000000e+00> : vector<128xf32>
    %reduce_sum3A_69 = vector.multi_reduction <add>, %mul3A_67, %reduce_sum3A_68 [1] : vector<128x128xf32> to vector<128xf32>
    %broadcast_in_dim3A_70 = vector.shape_cast %reduce_sum3A_69 : vector<128xf32> to vector<128x1xf32>
    %concatenate3A = tpu.concatenate %broadcast_in_dim3A_21, %broadcast_in_dim3A_28, %broadcast_in_dim3A_35, %broadcast_in_dim3A_42, %broadcast_in_dim3A_49, %broadcast_in_dim3A_56, %broadcast_in_dim3A_63, %broadcast_in_dim3A_70 in 0 : vector<128x1xf32>, vector<128x1xf32>, vector<128x1xf32>, vector<128x1xf32>, vector<128x1xf32>, vector<128x1xf32>, vector<128x1xf32>, vector<128x1xf32> -> vector<1024x1xf32>
    %max3A = arith.constant 1.000000e+00 : f32
    %max3A_71 = vector.broadcast %max3A : f32 to vector<1024x1xf32>
    %max3A_72 = arith.maximumf %concatenate3A, %max3A_71 : vector<1024x1xf32>
    %div3A = vector.broadcast %max3A_72 : vector<1024x1xf32> to vector<1024x128xf32>
    %div3A_73 = arith.divf %add3A, %div3A : vector<1024x128xf32>
    %get3A_74 = arith.constant 0 : index
    %get3A_75 = arith.constant 0 : index
    %get3A_76 = vector.load %arg4[%get3A_74, %get3A_75] : memref<128x128xf32, #tpu.memory_space<vmem>>, vector<128x128xf32>
    %dot_general3A = arith.constant dense<0.000000e+00> : vector<1024x128xf32>
    %dot_general3A_77 = tpu.matmul %div3A_73, %get3A_76, %dot_general3A {dimension_numbers = #tpu.dot_dimension_numbers<[1], [0], [0], [1], [0, 0, 1, 1], [], []>, transpose_lhs_hint = false} : vector<1024x128xf32>, vector<128x128xf32>, vector<1024x128xf32> -> vector<1024x128xf32>
    %get3A_78 = arith.constant 0 : index
    %get3A_79 = arith.constant 0 : index
    %get3A_80 = vector.load %arg5[%get3A_78, %get3A_79] : memref<1x128xf32, #tpu.memory_space<vmem>>, vector<1x128xf32>
    %add3A_81 = vector.broadcast %get3A_80 : vector<1x128xf32> to vector<1024x128xf32>
    %add3A_82 = arith.addf %dot_general3A_77, %add3A_81 : vector<1024x128xf32>
    %get3A_83 = arith.constant 0 : index
    %get3A_84 = arith.constant 0 : index
    %get3A_85 = vector.load %arg3[%get3A_83, %get3A_84] : memref<1024x128xf32, #tpu.memory_space<vmem>>, vector<1024x128xf32>
    %get3A_86 = arith.constant 0 : index
    %get3A_87 = arith.constant 0 : index
    %get3A_88 = vector.load %arg6[%get3A_86, %get3A_87] : memref<128x128xf32, #tpu.memory_space<vmem>>, vector<128x128xf32>
    %dot_general3A_89 = arith.constant dense<0.000000e+00> : vector<1024x128xf32>
    %dot_general3A_90 = tpu.matmul %get3A_85, %get3A_88, %dot_general3A_89 {dimension_numbers = #tpu.dot_dimension_numbers<[1], [0], [0], [1], [0, 0, 1, 1], [], []>, transpose_lhs_hint = false} : vector<1024x128xf32>, vector<128x128xf32>, vector<1024x128xf32> -> vector<1024x128xf32>
    %add3A_91 = arith.addf %add3A_82, %dot_general3A_90 : vector<1024x128xf32>
    %mul3A_92 = arith.mulf %add3A_91, %add3A_91 : vector<1024x128xf32>
    %reduce_sum3A_93 = arith.constant dense<0.000000e+00> : vector<1024xf32>
    %reduce_sum3A_94 = vector.multi_reduction <add>, %mul3A_92, %reduce_sum3A_93 [1] : vector<1024x128xf32> to vector<1024xf32>
    %broadcast_in_dim3A_95 = vector.shape_cast %reduce_sum3A_94 : vector<1024xf32> to vector<1024x1xf32>
    %sqrt3A = math.sqrt %broadcast_in_dim3A_95 : vector<1024x1xf32>
    %max3A_96 = arith.constant 9.99999996E-13 : f32
    %max3A_97 = vector.broadcast %max3A_96 : f32 to vector<1024x1xf32>
    %max3A_98 = arith.maximumf %sqrt3A, %max3A_97 : vector<1024x1xf32>
    %div3A_99 = vector.broadcast %max3A_98 : vector<1024x1xf32> to vector<1024x128xf32>
    %div3A_100 = arith.divf %add3A_91, %div3A_99 : vector<1024x128xf32>
    %max3A_101 = arith.constant 0.000000e+00 : f32
    %max3A_102 = vector.broadcast %max3A_101 : f32 to vector<1024x128xf32>
    %max3A_103 = arith.maximumf %div3A_100, %max3A_102 : vector<1024x128xf32>
    %swap3A = arith.constant 0 : index
    %swap3A_104 = arith.constant 0 : index
    %swap3A_105 = vector.load %arg7[%swap3A, %swap3A_104] : memref<1024x128xf32, #tpu.memory_space<vmem>>, vector<1024x128xf32>
    tpu.vector_store %arg7[%swap3A, %swap3A_104], %max3A_103 {strides = array<i32>} : memref<1024x128xf32, #tpu.memory_space<vmem>>, vector<1024x128xf32>,
    %eq3A_106 = arith.constant 9 : i32
    %eq3A_107 = arith.cmpi eq, %arg0, %eq3A_106 : i32
    %convert_element_type3A_108 = arith.extui %eq3A_107 : i1 to i32
    %cond3A = arith.constant 0 : i32
    %cond3A_109 = arith.cmpi ne, %convert_element_type3A_108, %cond3A : i32
    scf.if %cond3A_109 {
      %broadcast_in_dim3A_110 = arith.constant 0.000000e+00 : f32
      %broadcast_in_dim3A_111 = vector.broadcast %broadcast_in_dim3A_110 : f32 to vector<240x128xf32>
      %swap3A_112 = arith.constant 784 : index
      %swap3A_113 = arith.constant 0 : index
      %swap3A_114 = vector.load %arg7[%swap3A_112, %swap3A_113] : memref<1024x128xf32, #tpu.memory_space<vmem>>, vector<240x128xf32>
      tpu.vector_store %arg7[%swap3A_112, %swap3A_113], %broadcast_in_dim3A_111 {strides = array<i32>} : memref<1024x128xf32, #tpu.memory_space<vmem>>, vector<240x128xf32>,
    } else {
    }
    return
  }
  func.func @transform_0(%arg0: i32) -> (i32, i32, i32) {
    %c0_i32 = arith.constant 0 : i32
    %c0_i32_0 = arith.constant 0 : i32
    %c0_i32_1 = arith.constant 0 : i32
    return %c0_i32, %arg0, %c0_i32_0 : i32, i32, i32
  }
  func.func @transform_1(%arg0: i32) -> (i32, i32) {
    %c0_i32 = arith.constant 0 : i32
    %c0_i32_0 = arith.constant 0 : i32
    return %c0_i32, %arg0 : i32, i32
  }
  func.func @transform_2(%arg0: i32) -> (i32, i32) {
    %c0_i32 = arith.constant 0 : i32
    %c0_i32_0 = arith.constant 0 : i32
    return %arg0, %c0_i32 : i32, i32
  }
  func.func @transform_3(%arg0: i32) -> (i32, i32) {
    %c0_i32 = arith.constant 0 : i32
    %c0_i32_0 = arith.constant 0 : i32
    %c0_i32_1 = arith.constant 0 : i32
    return %c0_i32, %c0_i32_0 : i32, i32
  }
  func.func @transform_4(%arg0: i32) -> (i32, i32) {
    %c0_i32 = arith.constant 0 : i32
    %c0_i32_0 = arith.constant 0 : i32
    %c0_i32_1 = arith.constant 0 : i32
    return %c0_i32, %c0_i32_0 : i32, i32
  }
  func.func @transform_5(%arg0: i32) -> (i32, i32) {
    %c0_i32 = arith.constant 0 : i32
    %c0_i32_0 = arith.constant 0 : i32
    %c0_i32_1 = arith.constant 0 : i32
    return %c0_i32, %c0_i32_0 : i32, i32
  }
  func.func @transform_6(%arg0: i32) -> (i32, i32) {
    %c0_i32 = arith.constant 0 : i32
    %c0_i32_0 = arith.constant 0 : i32
    return %arg0, %c0_i32 : i32, i32
  }
}

module attributes {stable_mosaic.version = 14 : i64} {
  func.func @body(%arg0: i32, %arg1: memref<2x1024x128xf32, #tpu.memory_space<vmem>>, %arg2: memref<32x1024xf32, #tpu.memory_space<vmem>>, %arg3: memref<1024x128xf32, #tpu.memory_space<vmem>>, %arg4: memref<128x128xf32, #tpu.memory_space<vmem>>, %arg5: memref<1x128xf32, #tpu.memory_space<vmem>>, %arg6: memref<128x128xf32, #tpu.memory_space<vmem>>, %arg7: memref<1024x128xf32, #tpu.memory_space<vmem>>) attributes {dimension_semantics = [#tpu.dimension_semantics<arbitrary>], iteration_bounds = array<i64: 10>, scalar_prefetch = 0 : i64, scratch_operands = 0 : i64, tpu.core_type = #tpu.core_type<tc>, window_params = [{transform_indices = @transform_0, window_bounds = array<i64: 2, 1024, 128>}, {transform_indices = @transform_1, window_bounds = array<i64: 32, 1024>}, {transform_indices = @transform_2, window_bounds = array<i64: 1024, 128>}, {pipeline_mode = #tpu.pipeline_mode<synchronous>, transform_indices = @transform_3, window_bounds = array<i64: 128, 128>}, {pipeline_mode = #tpu.pipeline_mode<synchronous>, transform_indices = @transform_4, window_bounds = array<i64: 1, 128>}, {pipeline_mode = #tpu.pipeline_mode<synchronous>, transform_indices = @transform_5, window_bounds = array<i64: 128, 128>}, {transform_indices = @transform_6, window_bounds = array<i64: 1024, 128>}]} {
    %get3A = arith.constant 0 : index
    %get3A_0 = arith.constant 0 : index
    %get3A_1 = arith.constant 0 : index
    %get3A_2 = vector.load %arg1[%get3A, %get3A_0, %get3A_1] : memref<2x1024x128xf32, #tpu.memory_space<vmem>>, vector<1x1024x128xf32>
    %get3A_3 = vector.shape_cast %get3A_2 : vector<1x1024x128xf32> to vector<1024x128xf32>
    %get3A_4 = arith.constant 1 : index
    %get3A_5 = arith.constant 0 : index
    %get3A_6 = arith.constant 0 : index
    %get3A_7 = vector.load %arg1[%get3A_4, %get3A_5, %get3A_6] : memref<2x1024x128xf32, #tpu.memory_space<vmem>>, vector<1x1024x128xf32>
    %get3A_8 = vector.shape_cast %get3A_7 : vector<1x1024x128xf32> to vector<1024x128xf32>
    %add3A = arith.addf %get3A_3, %get3A_8 : vector<1024x128xf32>
    %get3A_9 = arith.constant 0 : index
    %get3A_10 = arith.constant 0 : index
    %get3A_11 = vector.load %arg2[%get3A_9, %get3A_10] : memref<32x1024xf32, #tpu.memory_space<vmem>>, vector<32x1024xf32>
    %reduce_sum3A = arith.constant dense<0.000000e+00> : vector<1024xf32>
    %reduce_sum3A_12 = vector.multi_reduction <add>, %get3A_11, %reduce_sum3A [0] : vector<32x1024xf32> to vector<1024xf32>
    %iota3A = tpu.iota {dimensions = array<i32: 0>} : vector<128x128xi32>
    %iota3A_13 = tpu.iota {dimensions = array<i32: 1>} : vector<128x128xi32>
    %add3A_14 = arith.constant 0 : i32
    %add3A_15 = vector.broadcast %add3A_14 : i32 to vector<128x128xi32>
    %add3A_16 = arith.addi %iota3A, %add3A_15 : vector<128x128xi32>
    %eq3A = arith.cmpi eq, %add3A_16, %iota3A_13 : vector<128x128xi32>
    %convert_element_type3A = arith.extui %eq3A : vector<128x128xi1> to vector<128x128xi32>
    %convert_element_type3A_17 = arith.sitofp %convert_element_type3A : vector<128x128xi32> to vector<128x128xf32>
    %slice3A = vector.extract_strided_slice %reduce_sum3A_12 {offsets = [0], sizes = [128], strides = [1]} : vector<1024xf32> to vector<128xf32>
    %broadcast_in_dim3A = vector.shape_cast %slice3A : vector<128xf32> to vector<1x128xf32>
    %mul3A = vector.broadcast %broadcast_in_dim3A : vector<1x128xf32> to vector<128x128xf32>
    %mul3A_18 = arith.mulf %convert_element_type3A_17, %mul3A : vector<128x128xf32>
    %reduce_sum3A_19 = arith.constant dense<0.000000e+00> : vector<128xf32>
    %reduce_sum3A_20 = vector.multi_reduction <add>, %mul3A_18, %reduce_sum3A_19 [1] : vector<128x128xf32> to vector<128xf32>
    %broadcast_in_dim3A_21 = vector.shape_cast %reduce_sum3A_20 : vector<128xf32> to vector<128x1xf32>
    %slice3A_22 = vector.extract_strided_slice %reduce_sum3A_12 {offsets = [128], sizes = [128], strides = [1]} : vector<1024xf32> to vector<128xf32>
    %broadcast_in_dim3A_23 = vector.shape_cast %slice3A_22 : vector<128xf32> to vector<1x128xf32>
    %mul3A_24 = vector.broadcast %broadcast_in_dim3A_23 : vector<1x128xf32> to vector<128x128xf32>
    %mul3A_25 = arith.mulf %convert_element_type3A_17, %mul3A_24 : vector<128x128xf32>
    %reduce_sum3A_26 = arith.constant dense<0.000000e+00> : vector<128xf32>
    %reduce_sum3A_27 = vector.multi_reduction <add>, %mul3A_25, %reduce_sum3A_26 [1] : vector<128x128xf32> to vector<128xf32>
    %broadcast_in_dim3A_28 = vector.shape_cast %reduce_sum3A_27 : vector<128xf32> to vector<128x1xf32>
    %slice3A_29 = vector.extract_strided_slice %reduce_sum3A_12 {offsets = [256], sizes = [128], strides = [1]} : vector<1024xf32> to vector<128xf32>
    %broadcast_in_dim3A_30 = vector.shape_cast %slice3A_29 : vector<128xf32> to vector<1x128xf32>
    %mul3A_31 = vector.broadcast %broadcast_in_dim3A_30 : vector<1x128xf32> to vector<128x128xf32>
    %mul3A_32 = arith.mulf %convert_element_type3A_17, %mul3A_31 : vector<128x128xf32>
    %reduce_sum3A_33 = arith.constant dense<0.000000e+00> : vector<128xf32>
    %reduce_sum3A_34 = vector.multi_reduction <add>, %mul3A_32, %reduce_sum3A_33 [1] : vector<128x128xf32> to vector<128xf32>
    %broadcast_in_dim3A_35 = vector.shape_cast %reduce_sum3A_34 : vector<128xf32> to vector<128x1xf32>
    %slice3A_36 = vector.extract_strided_slice %reduce_sum3A_12 {offsets = [384], sizes = [128], strides = [1]} : vector<1024xf32> to vector<128xf32>
    %broadcast_in_dim3A_37 = vector.shape_cast %slice3A_36 : vector<128xf32> to vector<1x128xf32>
    %mul3A_38 = vector.broadcast %broadcast_in_dim3A_37 : vector<1x128xf32> to vector<128x128xf32>
    %mul3A_39 = arith.mulf %convert_element_type3A_17, %mul3A_38 : vector<128x128xf32>
    %reduce_sum3A_40 = arith.constant dense<0.000000e+00> : vector<128xf32>
    %reduce_sum3A_41 = vector.multi_reduction <add>, %mul3A_39, %reduce_sum3A_40 [1] : vector<128x128xf32> to vector<128xf32>
    %broadcast_in_dim3A_42 = vector.shape_cast %reduce_sum3A_41 : vector<128xf32> to vector<128x1xf32>
    %slice3A_43 = vector.extract_strided_slice %reduce_sum3A_12 {offsets = [512], sizes = [128], strides = [1]} : vector<1024xf32> to vector<128xf32>
    %broadcast_in_dim3A_44 = vector.shape_cast %slice3A_43 : vector<128xf32> to vector<1x128xf32>
    %mul3A_45 = vector.broadcast %broadcast_in_dim3A_44 : vector<1x128xf32> to vector<128x128xf32>
    %mul3A_46 = arith.mulf %convert_element_type3A_17, %mul3A_45 : vector<128x128xf32>
    %reduce_sum3A_47 = arith.constant dense<0.000000e+00> : vector<128xf32>
    %reduce_sum3A_48 = vector.multi_reduction <add>, %mul3A_46, %reduce_sum3A_47 [1] : vector<128x128xf32> to vector<128xf32>
    %broadcast_in_dim3A_49 = vector.shape_cast %reduce_sum3A_48 : vector<128xf32> to vector<128x1xf32>
    %slice3A_50 = vector.extract_strided_slice %reduce_sum3A_12 {offsets = [640], sizes = [128], strides = [1]} : vector<1024xf32> to vector<128xf32>
    %broadcast_in_dim3A_51 = vector.shape_cast %slice3A_50 : vector<128xf32> to vector<1x128xf32>
    %mul3A_52 = vector.broadcast %broadcast_in_dim3A_51 : vector<1x128xf32> to vector<128x128xf32>
    %mul3A_53 = arith.mulf %convert_element_type3A_17, %mul3A_52 : vector<128x128xf32>
    %reduce_sum3A_54 = arith.constant dense<0.000000e+00> : vector<128xf32>
    %reduce_sum3A_55 = vector.multi_reduction <add>, %mul3A_53, %reduce_sum3A_54 [1] : vector<128x128xf32> to vector<128xf32>
    %broadcast_in_dim3A_56 = vector.shape_cast %reduce_sum3A_55 : vector<128xf32> to vector<128x1xf32>
    %slice3A_57 = vector.extract_strided_slice %reduce_sum3A_12 {offsets = [768], sizes = [128], strides = [1]} : vector<1024xf32> to vector<128xf32>
    %broadcast_in_dim3A_58 = vector.shape_cast %slice3A_57 : vector<128xf32> to vector<1x128xf32>
    %mul3A_59 = vector.broadcast %broadcast_in_dim3A_58 : vector<1x128xf32> to vector<128x128xf32>
    %mul3A_60 = arith.mulf %convert_element_type3A_17, %mul3A_59 : vector<128x128xf32>
    %reduce_sum3A_61 = arith.constant dense<0.000000e+00> : vector<128xf32>
    %reduce_sum3A_62 = vector.multi_reduction <add>, %mul3A_60, %reduce_sum3A_61 [1] : vector<128x128xf32> to vector<128xf32>
    %broadcast_in_dim3A_63 = vector.shape_cast %reduce_sum3A_62 : vector<128xf32> to vector<128x1xf32>
    %slice3A_64 = vector.extract_strided_slice %reduce_sum3A_12 {offsets = [896], sizes = [128], strides = [1]} : vector<1024xf32> to vector<128xf32>
    %broadcast_in_dim3A_65 = vector.shape_cast %slice3A_64 : vector<128xf32> to vector<1x128xf32>
    %mul3A_66 = vector.broadcast %broadcast_in_dim3A_65 : vector<1x128xf32> to vector<128x128xf32>
    %mul3A_67 = arith.mulf %convert_element_type3A_17, %mul3A_66 : vector<128x128xf32>
    %reduce_sum3A_68 = arith.constant dense<0.000000e+00> : vector<128xf32>
    %reduce_sum3A_69 = vector.multi_reduction <add>, %mul3A_67, %reduce_sum3A_68 [1] : vector<128x128xf32> to vector<128xf32>
    %broadcast_in_dim3A_70 = vector.shape_cast %reduce_sum3A_69 : vector<128xf32> to vector<128x1xf32>
    %concatenate3A = tpu.concatenate %broadcast_in_dim3A_21, %broadcast_in_dim3A_28, %broadcast_in_dim3A_35, %broadcast_in_dim3A_42, %broadcast_in_dim3A_49, %broadcast_in_dim3A_56, %broadcast_in_dim3A_63, %broadcast_in_dim3A_70 in 0 : vector<128x1xf32>, vector<128x1xf32>, vector<128x1xf32>, vector<128x1xf32>, vector<128x1xf32>, vector<128x1xf32>, vector<128x1xf32>, vector<128x1xf32> -> vector<1024x1xf32>
    %max3A = arith.constant 1.000000e+00 : f32
    %max3A_71 = vector.broadcast %max3A : f32 to vector<1024x1xf32>
    %max3A_72 = arith.maximumf %concatenate3A, %max3A_71 : vector<1024x1xf32>
    %div3A = vector.broadcast %max3A_72 : vector<1024x1xf32> to vector<1024x128xf32>
    %div3A_73 = arith.divf %add3A, %div3A : vector<1024x128xf32>
    %get3A_74 = arith.constant 0 : index
    %get3A_75 = arith.constant 0 : index
    %get3A_76 = vector.load %arg4[%get3A_74, %get3A_75] : memref<128x128xf32, #tpu.memory_space<vmem>>, vector<128x128xf32>
    %dot_general3A = arith.constant dense<0.000000e+00> : vector<1024x128xf32>
    %dot_general3A_77 = tpu.matmul %div3A_73, %get3A_76, %dot_general3A {dimension_numbers = #tpu.dot_dimension_numbers<[1], [0], [0], [1], [0, 0, 1, 1], [], []>, transpose_lhs_hint = false} : vector<1024x128xf32>, vector<128x128xf32>, vector<1024x128xf32> -> vector<1024x128xf32>
    %get3A_78 = arith.constant 0 : index
    %get3A_79 = arith.constant 0 : index
    %get3A_80 = vector.load %arg5[%get3A_78, %get3A_79] : memref<1x128xf32, #tpu.memory_space<vmem>>, vector<1x128xf32>
    %add3A_81 = vector.broadcast %get3A_80 : vector<1x128xf32> to vector<1024x128xf32>
    %add3A_82 = arith.addf %dot_general3A_77, %add3A_81 : vector<1024x128xf32>
    %get3A_83 = arith.constant 0 : index
    %get3A_84 = arith.constant 0 : index
    %get3A_85 = vector.load %arg3[%get3A_83, %get3A_84] : memref<1024x128xf32, #tpu.memory_space<vmem>>, vector<1024x128xf32>
    %get3A_86 = arith.constant 0 : index
    %get3A_87 = arith.constant 0 : index
    %get3A_88 = vector.load %arg6[%get3A_86, %get3A_87] : memref<128x128xf32, #tpu.memory_space<vmem>>, vector<128x128xf32>
    %dot_general3A_89 = arith.constant dense<0.000000e+00> : vector<1024x128xf32>
    %dot_general3A_90 = tpu.matmul %get3A_85, %get3A_88, %dot_general3A_89 {dimension_numbers = #tpu.dot_dimension_numbers<[1], [0], [0], [1], [0, 0, 1, 1], [], []>, transpose_lhs_hint = false} : vector<1024x128xf32>, vector<128x128xf32>, vector<1024x128xf32> -> vector<1024x128xf32>
    %add3A_91 = arith.addf %add3A_82, %dot_general3A_90 : vector<1024x128xf32>
    %swap3A = arith.constant 0 : index
    %swap3A_92 = arith.constant 0 : index
    %swap3A_93 = vector.load %arg7[%swap3A, %swap3A_92] : memref<1024x128xf32, #tpu.memory_space<vmem>>, vector<1024x128xf32>
    tpu.vector_store %arg7[%swap3A, %swap3A_92], %add3A_91 {strides = array<i32>} : memref<1024x128xf32, #tpu.memory_space<vmem>>, vector<1024x128xf32>,
    %eq3A_94 = arith.constant 9 : i32
    %eq3A_95 = arith.cmpi eq, %arg0, %eq3A_94 : i32
    %convert_element_type3A_96 = arith.extui %eq3A_95 : i1 to i32
    %cond3A = arith.constant 0 : i32
    %cond3A_97 = arith.cmpi ne, %convert_element_type3A_96, %cond3A : i32
    scf.if %cond3A_97 {
      %broadcast_in_dim3A_98 = arith.constant 0.000000e+00 : f32
      %broadcast_in_dim3A_99 = vector.broadcast %broadcast_in_dim3A_98 : f32 to vector<240x128xf32>
      %swap3A_100 = arith.constant 784 : index
      %swap3A_101 = arith.constant 0 : index
      %swap3A_102 = vector.load %arg7[%swap3A_100, %swap3A_101] : memref<1024x128xf32, #tpu.memory_space<vmem>>, vector<240x128xf32>
      tpu.vector_store %arg7[%swap3A_100, %swap3A_101], %broadcast_in_dim3A_99 {strides = array<i32>} : memref<1024x128xf32, #tpu.memory_space<vmem>>, vector<240x128xf32>,
    } else {
    }
    return
  }
  func.func @transform_0(%arg0: i32) -> (i32, i32, i32) {
    %c0_i32 = arith.constant 0 : i32
    %c0_i32_0 = arith.constant 0 : i32
    %c0_i32_1 = arith.constant 0 : i32
    return %c0_i32, %arg0, %c0_i32_0 : i32, i32, i32
  }
  func.func @transform_1(%arg0: i32) -> (i32, i32) {
    %c0_i32 = arith.constant 0 : i32
    %c0_i32_0 = arith.constant 0 : i32
    return %c0_i32, %arg0 : i32, i32
  }
  func.func @transform_2(%arg0: i32) -> (i32, i32) {
    %c0_i32 = arith.constant 0 : i32
    %c0_i32_0 = arith.constant 0 : i32
    return %arg0, %c0_i32 : i32, i32
  }
  func.func @transform_3(%arg0: i32) -> (i32, i32) {
    %c0_i32 = arith.constant 0 : i32
    %c0_i32_0 = arith.constant 0 : i32
    %c0_i32_1 = arith.constant 0 : i32
    return %c0_i32, %c0_i32_0 : i32, i32
  }
  func.func @transform_4(%arg0: i32) -> (i32, i32) {
    %c0_i32 = arith.constant 0 : i32
    %c0_i32_0 = arith.constant 0 : i32
    %c0_i32_1 = arith.constant 0 : i32
    return %c0_i32, %c0_i32_0 : i32, i32
  }
  func.func @transform_5(%arg0: i32) -> (i32, i32) {
    %c0_i32 = arith.constant 0 : i32
    %c0_i32_0 = arith.constant 0 : i32
    %c0_i32_1 = arith.constant 0 : i32
    return %c0_i32, %c0_i32_0 : i32, i32
  }
  func.func @transform_6(%arg0: i32) -> (i32, i32) {
    %c0_i32 = arith.constant 0 : i32
    %c0_i32_0 = arith.constant 0 : i32
    return %arg0, %c0_i32 : i32, i32
  }
}

</mosaic_0001>

<sc_bundles>
// kernel: kernel.12.cloned.1.call-start
scs
__scs_entry_jumppad:
0x0: {  	(pc) =	sbr.rel $0x88, $3  }
0x1: {  	(tag) =	ssettag $0x0;
	lr =	simm.s32 $0x1  }
0x2: {  	[smem:$0x3F92] =	sst lr;
	_ =	strace $0xD0000000  }
0x3: {  	_ = 	snop  }
0x4: {  	_ = 	snop  }
0x5: {  	_ = 	snop  }
0x6: {  	_ = 	snop  }
0x7: {  	_ = 	snop  }
__scs_overlays_trampoline_lowered:
0x8: {  	[smem:$0x3FA1] =	sst s0  }
0x9: {  	[smem:$0x3FA2] =	sst s1  }
0xa: {  	[smem:$0x3FA3] =	sst s2  }
0xb: {  	[smem:$0x3FA4] =	sst s3  }
0xc: {  	[smem:$0x3FA5] =	sst s4  }
0xd: {  	[smem:$0x3FA6] =	sst s5  }
0xe: {  	[smem:$0x3FA7] =	sst s6  }
0xf: {  	[smem:$0x3FA8] =	sst s7  }
0x10: {  	[smem:$0x3FA9] =	sst s8  }
0x11: {  	[smem:$0x3FAA] =	sst s9;
	s0 =	simm.s32 @!p0 $0x0  }
0x12: {  	s1 =	sld [smem:$0x3F90];
	s0 =	simm.s32 @p0 $0x1  }
0x13: {  	[smem:$0x3FAB] =	sst s0;
	s0 =	simm.s32 @!p1 $0x0  }
0x14: {  	s2 =	sld [smem:$0x3F8F];
	s0 =	simm.s32 @p1 $0x1  }
0x15: {  	[smem:$0x3FAC] =	sst s0;
	s0 =	simm.s32 @!p2 $0x0  }
0x16: {  	s3 =	sld [smem:$0x3FDB];
	s0 =	simm.s32 @p2 $0x1  }
0x17: {  	s4 =	simm.s32 $0x1BF5;
	[smem:$0x3FAE] =	sst s0  }
0x18: {  	s0 =	sld [smem:$0x3F91];
	_ =	swait.ge [sflag:s4], $0x0  }
0x19: {  	s7 =	sld [smem:$0x3F92]  }
0x1a: {  	s8 =	sadd.s32 $0xFFFFE003, lr  }
0x1b: {  	s9 =	sadd.s32 $0xFFFFFEF7, lr;
	s5 =	simm.s32 $0xFFFFFFFF;
	p2 =	slt.u32 s8, $0xFFFFF086  }
0x1c: {  	p1 =	slt.u32 s9, $0xF7A;
	s5 =	simm.s32 @!p2 $0x0  }
0x1d: {  	s5 =	simm.s32 @p1 $0x1;
	p0 =	seq.s32 s7, s2  }
0x1e: {  	s7 =	smul.u32 @!p0 $0xF7A, s2;
	p2 =	seq.s32 @!p0 s5, $0x0  }
0x1f: {  	s9 =	smul.u32 $0xF7A, s1;
	s8 =	simm.s32 @!p0 $0x1BF5;
	p2 =	por !p2, p0  }
0x20: {  	[sflag:s8] =	ssyncset.s32 @!p0 $0xFFFFF086;
	s6 =	sadd.s32 @!p0 s3, s7;
	s7 =	simm.s32 @!p0 $0x108  }
0x21: {  	s3 =	sadd.s32 s3, s9;
	s6 =	sadd.s32 @!p0 $0x88, s6;
	s7 =	simm.s32 @p2 $0x1082  }
0x22: {  	[simem:s7], [sflag:s8] =	dma.local @!p0 [hbm:s6], $0xF7A  }
0x23: {  	s9 =	sor.u32 $0xD0000000, s2;
	s6 =	simm.s32 $0x108;
	_ =	swait.ge @!p0 [sflag:s8], $0x0  }
0x24: {  	s3 =	sadd.s32 $0x88, s3;
	s6 =	simm.s32 @!p1 $0x1082;
	[sflag:s4] =	ssyncset.s32 $0xFFFFF086  }
0x25: {  	[simem:s6], [sflag:s4] =	dma.local [hbm:s3], $0xF7A  }
0x26: {  	[smem:$0x3F92] =	sst s1;
	(tag) =	ssettag s2;
	_ =	strace s9  }
0x27: {  	s1 =	sld [smem:$0x3FA2]  }
0x28: {  	s2 =	sld [smem:$0x3FA3]  }
0x29: {  	s4 =	sld [smem:$0x3FA5]  }
0x2a: {  	p0 =	seq.s32 s5, $0x0;
	s5 =	sld [smem:$0x3FA6]  }
0x2b: {  	s6 =	sld [smem:$0x3FA7]  }
0x2c: {  	s7 =	sld [smem:$0x3FA8]  }
0x2d: {  	s3 =	simm.s32 $0x108;
	s8 =	sld [smem:$0x3FA9]  }
0x2e: {  	s3 =	simm.s32 @!p0 $0x1082;
	s9 =	sld [smem:$0x3FAA]  }
0x2f: {  	lr =	sadd.s32 s0, s3;
	s0 =	sld [smem:$0x3FA1]  }
0x30: {  	s3 =	sld [smem:$0x3FA4]  }
0x31: {  	[smem:$0x3FAD] =	sst s10  }
0x32: {  	s10 =	sld [smem:$0x3FAB];
	_ =	sdelay $0x3  }
0x33: {  	p0 =	seq.s32 s10, $0x1;
	s10 =	sld [smem:$0x3FAD];
	_ =	sdelay $0x3  }
0x34: {  	[smem:$0x3FAD] =	sst s10  }
0x35: {  	s10 =	sld [smem:$0x3FAC];
	_ =	sdelay $0x3  }
0x36: {  	p1 =	seq.s32 s10, $0x1;
	s10 =	sld [smem:$0x3FAD];
	_ =	sdelay $0x3  }
0x37: {  	[smem:$0x3FAD] =	sst s10  }
0x38: {  	s10 =	sld [smem:$0x3FAE]  }
0x39: {  	_ = 	snop;
	(pc) =	sbr.ind lr, $3  }
0x3a: {  	_ = 	snop  }
0x3b: {  	_ = 	snop  }
0x3c: {  	p2 =	seq.s32 s10, $0x1;
	s10 =	sld [smem:$0x3FAD]  }
0x3d: {  	_ =	shalt  }
0x3e: {  	_ =	shalt  }
0x3f: {  	_ =	shalt  }
0x40: {  	_ =	shalt  }
0x41: {  	_ =	shalt  }
0x42: {  	_ =	shalt  }
0x43: {  	_ =	shalt  }
0x44: {  	_ =	shalt  }
0x45: {  	_ =	shalt  }
0x46: {  	_ =	shalt  }
0x47: {  	_ =	shalt  }
0x48: {  	_ =	shalt  }
0x49: {  	_ =	shalt  }
0x4a: {  	_ =	shalt  }
0x4b: {  	_ =	shalt  }
0x4c: {  	_ =	shalt  }
0x4d: {  	_ =	shalt  }
0x4e: {  	_ =	shalt  }
0x4f: {  	_ =	shalt  }
0x50: {  	_ =	shalt  }
0x51: {  	_ =	shalt  }
0x52: {  	_ =	shalt  }
0x53: {  	_ =	shalt  }
0x54: {  	_ =	shalt  }
0x55: {  	_ =	shalt  }
0x56: {  	_ =	shalt  }
0x57: {  	_ =	shalt  }
0x58: {  	_ =	shalt  }
0x59: {  	_ =	shalt  }
0x5a: {  	_ =	shalt  }
0x5b: {  	_ =	shalt  }
0x5c: {  	_ =	shalt  }
0x5d: {  	_ =	shalt  }
0x5e: {  	_ =	shalt  }
0x5f: {  	_ =	shalt  }
0x60: {  	_ =	shalt  }
0x61: {  	_ =	shalt  }
0x62: {  	_ =	shalt  }
0x63: {  	_ =	shalt  }
0x64: {  	_ =	shalt  }
0x65: {  	_ =	shalt  }
0x66: {  	_ =	shalt  }
0x67: {  	_ =	shalt  }
0x68: {  	_ =	shalt  }
0x69: {  	_ =	shalt  }
0x6a: {  	_ =	shalt  }
0x6b: {  	_ =	shalt  }
0x6c: {  	_ =	shalt  }
0x6d: {  	_ =	shalt  }
0x6e: {  	_ =	shalt  }
0x6f: {  	_ =	shalt  }
0x70: {  	_ =	shalt  }
0x71: {  	_ =	shalt  }
0x72: {  	_ =	shalt  }
0x73: {  	_ =	shalt  }
0x74: {  	_ =	shalt  }
0x75: {  	_ =	shalt  }
0x76: {  	_ =	shalt  }
0x77: {  	_ =	shalt  }
0x78: {  	_ =	shalt  }
0x79: {  	_ =	shalt  }
0x7a: {  	_ =	shalt  }
0x7b: {  	_ =	shalt  }
0x7c: {  	_ =	shalt  }
0x7d: {  	_ =	shalt  }
0x7e: {  	_ =	shalt  }
0x7f: {  	_ =	shalt  }
0x80: {  	_ =	shalt  }
0x81: {  	_ =	shalt  }
0x82: {  	_ =	shalt  }
0x83: {  	_ =	shalt  }
0x84: {  	_ =	shalt  }
0x85: {  	_ =	shalt  }
0x86: {  	_ =	shalt  }
0x87: {  	_ =	shalt  }
.Lfunc_end0:
.L_simem_size_0:
called_computation.1_lowered:
.L_overlay_start_0:
0x88: {  	s2 =	sld [smem:$0x3FD9]  }
0x89: {  	s3 =	sld [smem:$0x3FFE];
	_ =	sdelay $0x1  }
0x8a: {  	s1 =	srdreg.scid  }
0x8b: {  	s0 =	sand.u32 $0x1, s1  }
0x8c: {  	s17 =	sshll.u32 s0, $0xA;
	s2 =	sadd.s32 s3, s2  }
0x8d: {  	s2 =	sadd.s32 s2, s17  }
0x8e: {  	[smem:$0x3FB9] =	sst s2  }
0x8f: {  	_ = 	snop  }
0x90: {  	s2 =	sld [smem:$0x3FD0];
	(tm) =	ssettm $0x1  }
0x91: {  	s18 =	sld [smem:$0x3FFB];
	_ =	sdelay $0x3  }
0x92: {  	_ =	strace s18  }
0x93: {  	s3 =	sld [smem:$0x3FFC];
	_ =	sdelay $0x3  }
0x94: {  	_ =	strace s3  }
0x95: {  	s3 =	sld [smem:$0x3FFD];
	_ =	sdelay $0x3  }
0x96: {  	_ =	strace s3  }
0x97: {  	_ =	strace $0x8FFFFFFF  }
0x98: {  	s19 =	sld [smem:$0x3FDB];
	_ =	sdelay $0x1  }
0x99: {  	s4 =	simm.s32 $_scs_section_size  }
0x9a: {  	s5 =	simm.s32 $_size__tile_overlayer_lowered;
	s6 =	simm.s32 $_tile_overlayer_lowered  }
0x9b: {  	s22 =	simm.s32 $0x1BFF;
	s21 =	sshll.u32 s6, $0x1;
	s3 =	sadd.s32 s4, s19  }
0x9c: {  	s7 =	simm.s32 $0x0;
	s20 =	sshll.u32 s5, $0x1;
	s5 =	sadd.s32 s21, s3  }
0x9d: {  	[timem:s7], [sflag:s22] =	dma.local [hbm:s5], s20  }
0x9e: {  	_ =	swait.ge [sflag:s22], s20  }
0x9f: {  	s4 =	ssub.s32 $0x0, s20;
	[sflag:s22] =	ssyncset.done $0x0  }
0xa0: {  	[sflag:s22] =	ssyncadd.s32 s4;
	_ =	sdelay $0x1  }
0xa1: {  	s23 =	simm.s32 $0x1B8B  }
0xa2: {  	_ =	swait.ge [sflag:s23], $0x1  }
0xa3: {  	[sflag:s23] =	ssyncset.done $0x0  }
0xa4: {  	s25 =	simm.s32 $0x1B8E;
	s24 =	sld [smem:$0x3FFE];
	[sflag:s23] =	ssyncadd.s32 $0xFFFFFFFF  }
0xa5: {  	s26 =	simm.s32 $execute0_lowered;
	[smem:$0x3FD2] =	sst s25  }
0xa6: {  	s5 =	sshll.u32 s26, $0x1;
	_ =	strace $0x80000049;
	[dreg:$0x1] =	wrdreg $0xFFFFFFFF  }
0xa7: {  	s28 =	simm.s32 $_size_execute0_lowered;
	s3 =	sadd.s32 s3, s5;
	[dreg:$0x0] =	wrdreg $0x0  }
0xa8: {  	s5 =	sshll.u32 s28, $0x1;
	[dreg:$0x2] =	wrdreg s3  }
0xa9: {  	[dreg:$0x3] =	wrdreg s5  }
0xaa: {  	[dreg:$0x4] =	wrdreg $0xC0  }
0xab: {  	_ =	task [dreg:s7], $0x5FFFF  }
0xac: {  	[dreg:$0x1] =	wrdreg $0xFFFFFFFF  }
0xad: {  	[dreg:$0x0] =	wrdreg $0x60  }
0xae: {  	[dreg:$0x2] =	wrdreg s24  }
0xaf: {  	[dreg:$0x3] =	wrdreg s2  }
0xb0: {  	[dreg:$0x4] =	wrdreg $0x90000  }
0xb1: {  	[dreg:$0x5] =	wrdreg $0x9  }
0xb2: {  	_ =	task.clear_ibuf [dreg:s7], $0x6FFFF;
	_ =	strace $0x90000049  }
0xb3: {  	s29 =	simm.s32 $0x9;
	_ =	strace $0x8000004B  }
0xb4: {  	_ =	swait.ge [sflag:s29], $0x1  }
0xb5: {  	[sflag:s29] =	ssyncadd.s32 $0xFFFFFFFF  }
0xb6: {  	_ =	strace $0x9000004B  }
0xb7: {  	_ =	sfence  }
0xb8: {  	s30 =	sld [smem:$0x0];
	_ =	sdelay $0x2  }
0xb9: {  	s31 =	sshll.u32 s1, $0xD;
	s1 =	sshrl.u32 s1, $0x2  }
0xba: {  	s3 =	sand.u32 $0x4000, s31;
	s1 =	sadd.s32 s1, s30  }
0xbb: {  	s0 =	sor.u32 s3, s0;
	s1 =	sshll.u32 s1, $0x11  }
0xbc: {  	s0 =	sor.u32 s1, s0  }
0xbd: {  	s0 =	sadd.s32 $0x8F2B, s0  }
0xbe: {  	[sflag:s0] =	ssyncadd.remote.s32 $0x1  }
0xbf: {  	_ =	sfence.sel $0xFFFF  }
0xc0: {  	[dreg:$0x0] =	wrdreg $0xFFFFFFFF;
	(pc) =	sbr.abs _section_cstart, $3  }
0xc1: {  	[dreg:$0x1] =	wrdreg $0xFFFFFFFF  }
0xc2: {  	_ =	task.clear_ibuf [dreg:s7], $0x2FFFF;
	_ =	strace $0x9FFFFFFF  }
0xc3: {  	(tm) =	ssettm $0x7FFFFFFF  }
tec
execute0_lowered:
.L_overlay_start_1:
0x0: {  	(tag) =	ssettag $0x1  }
0x1: {  	s6 =	rddreg [dreg:$0x0]  }
0x2: {  	s11 =	rddreg [dreg:$0x1]  }
0x3: {  	s2 =	rddreg [dreg:$0x2]  }
0x4: {  	s0 =	srdreg.scid;
	s1 =	rddreg [dreg:$0x3]  }
0x5: {  	s3 =	simm.s32 $0x0;
	s16 =	simm.s32 $0x2;
	s7 =	sand.u32 $0x1, s0  }
0x6: {  	s17 =	simm.s32 $0x2800;
	s0 =	stileid.u32;
	s4 =	smul.u32 $0x500, s7  }
0x7: {  	s18 =	simm.s32 $0x80;
	s19 =	simm.s32 $0x1;
	s5 =	smul.u32 $0x50, s0  }
0x8: {  	s22 =	simm.s32 $0x0;
	[smem:$0x7FF] =	sst s3;
	s8 =	smul.u32 $0x2800, s0  }
0x9: {  	s9 =	smul.u32 $0x28000, s7;
	_ =	strace $0x8000004A;
	s7 =	ssub.s32 $0x2, s7  }
0xa: {  	s10 =	smul.u32 $0x50000, s0;
	s20 =	sshll.u32 s0, $0x6;
	s31 =	sshrl.u32 s7, $0x1  }
0xb: {  	s20 =	sor.u32 $0x1C02, s20;
	s4 =	sadd.s32 s5, s4;
	s5 =	sadd.s32 $0x35400, s6  }
0xc: {  	s8 =	sadd.s32 s8, s9;
	s30 =	sshrl.u32 s10, $0x2;
	s15 =	ssub.s32 s7, s31  }
0xd: {  	s12 =	sshll.u32 s4, $0x4;
	s4 =	sadd.s32 $0x3400, s6;
	s14 =	sadd.s32 s8, s6  }
0xe: {  	s13 =	sadd.s32 s12, s6;
	s6 =	sadd.s32 s30, s2;
	s11 =	sadd.s32 s11, s12  }
0xf: {  	s7 =	sadd.s32 $0x4000, s6;
	s8 =	sadd.s32 $0x8000, s6;
	s9 =	sadd.s32 $0xC000, s6  }
0x10: {  	s10 =	sadd.s32 $0x10000, s6;
	s12 =	sadd.s32 $0x2B400, s13;
	s13 =	sadd.s32 $0x35C00, s14  }
0x11: {  	s14 =	smax.u32 s15, $0x1;
	s15 =	simm.s32 $0x5000;
	s21 =	sshrl.u32 s6, $0x3  }
.LBB2_1:
0x12: {  	[tilespmem:s15], [sflag:$0x2] =	stream.linear.gather [hbm4b:s5+s3], $0x4000, $0x38;
	[tilespmem:$0x1D000] =	vst v63  }
0x13: {  	_ =	swait.ge [sflag:s16], $0x4000  }
0x14: {  	[sflag:s16] =	ssyncset.done $0x0  }
0x15: {  	[sflag:s16] =	ssyncadd.s32 $0xFFFFC000  }
0x16: {  	[spmem:s6] =	stream.linear.scatter [tilespmem:s15], [sflag:$0x2], $0x4000, $0x38;
	[tilespmem:$0x1D000] =	vst v63  }
0x17: {  	_ =	swait.ge [sflag:s16], $0x4000  }
0x18: {  	[sflag:s16] =	ssyncset.done $0x0  }
0x19: {  	[sflag:s16] =	ssyncadd.s32 $0xFFFFC000  }
0x1a: {  	[spmem:s7] =	stream.linear.scatter [tilespmem:s15], [sflag:$0x2], $0x4000, $0x38;
	[tilespmem:$0x1D000] =	vst v63  }
0x1b: {  	_ =	swait.ge [sflag:s16], $0x4000  }
0x1c: {  	[sflag:s16] =	ssyncset.done $0x0  }
0x1d: {  	[sflag:s16] =	ssyncadd.s32 $0xFFFFC000  }
0x1e: {  	[spmem:s8] =	stream.linear.scatter [tilespmem:s15], [sflag:$0x2], $0x4000, $0x38;
	[tilespmem:$0x1D000] =	vst v63  }
0x1f: {  	_ =	swait.ge [sflag:s16], $0x4000  }
0x20: {  	[sflag:s16] =	ssyncset.done $0x0  }
0x21: {  	[sflag:s16] =	ssyncadd.s32 $0xFFFFC000  }
0x22: {  	[spmem:s9] =	stream.linear.scatter [tilespmem:s15], [sflag:$0x2], $0x4000, $0x38;
	[tilespmem:$0x1D000] =	vst v63  }
0x23: {  	_ =	swait.ge [sflag:s16], $0x4000  }
0x24: {  	[sflag:s16] =	ssyncset.done $0x0  }
0x25: {  	[sflag:s16] =	ssyncadd.s32 $0xFFFFC000  }
0x26: {  	[spmem:s10] =	stream.linear.scatter [tilespmem:s15], [sflag:$0x2], $0x4000, $0x38;
	[tilespmem:$0x1D000] =	vst v63  }
0x27: {  	_ =	swait.ge [sflag:s16], $0x4000  }
0x28: {  	[sflag:s16] =	ssyncset.done $0x0  }
0x29: {  	[sflag:s16] =	ssyncadd.s32 $0xFFFFC000  }
0x2a: {  	[tilespmem:s3], [sflag:$0x2] =	stream.linear.gather [hbm4b:s11+s3], $0x2800, $0x38;
	[tilespmem:$0x1D000] =	vst v63  }
0x2b: {  	_ =	swait.ge [sflag:s16], $0x2800  }
0x2c: {  	[sflag:s16] =	ssyncset.done $0x0  }
0x2d: {  	[sflag:s16] =	ssyncadd.s32 $0xFFFFD800  }
0x2e: {  	[tilespmem:s17], [sflag:$0x2] =	stream.linear.gather [hbm4b:s12+s3], $0x2800, $0x38;
	[tilespmem:$0x1D000] =	vst v63  }
0x2f: {  	_ =	swait.ge [sflag:s16], $0x2800  }
0x30: {  	[sflag:s16] =	ssyncset.done $0x0  }
0x31: {  	[sflag:s16] =	ssyncadd.s32 $0xFFFFD800  }
0x32: {  	s23 =	simm.s32 $0x0;
	[bflag:$0x0] =	sbarrier.arrive $0xFFFF  }
0x33: {  	[tilespmem:s15], [sflag:$0x1] =	stream.indirect.gather [hbm4b:s4+s18], $0x80, s23, s18, $0xb8;
	[tilespmem:$0x1D000] =	vst v63  }
0x34: {  	_ =	swait.ge [sflag:s19], $0x4000  }
0x35: {  	[sflag:s19] =	ssyncset.done $0x0  }
0x36: {  	s31 =	simm.s32 $0x2800;
	[sflag:s19] =	ssyncadd.s32 $0xFFFFC000  }
0x37: {  	[spmem:s2] =	stream.indirect.scatter.add.f32 [tilespmem:s15], [sflag:$0x2], $0x80, s31, s18, $0xb8;
	[tilespmem:$0x1D000] =	vst v63  }
0x38: {  	_ =	swait.ge [sflag:s16], $0x4000  }
0x39: {  	s24 =	simm.s32 $0x400;
	s23 =	simm.s32 $0x200;
	[sflag:s16] =	ssyncset.done $0x0  }
.LBB2_2:
0x3a: {  	s25 =	sshra.s32 s23, $0x2  }
0x3b: {  	[sflag:s16] =	ssyncadd.s32 $0xFFFFC000;
	s23 =	smov.u32 s24;
	s26 =	sadd.s32 $0x200, s24  }
0x3c: {  	[tilespmem:s15], [sflag:$0x1] =	stream.indirect.gather [hbm4b:s4+s18], $0x80, s25, s18, $0xb8;
	[tilespmem:$0x1D000] =	vst v63  }
0x3d: {  	p0 =	sne.s32 s24, $0x9E00;
	_ =	swait.ge [sflag:s19], $0x4000  }
.Ltmp0:
0x3e: {  	[sflag:s19] =	ssyncset.done $0x0;
	(pc) =	sbr.rel @p0 .LBB2_2-.Ltmp0, $4  }
0x3f: {  	s24 =	sadd.s32 $0x2800, s25;
	[sflag:s19] =	ssyncadd.s32 $0xFFFFC000  }
0x40: {  	[spmem:s2] =	stream.indirect.scatter.add.f32 [tilespmem:s15], [sflag:$0x2], $0x80, s24, s18, $0xb8;
	[tilespmem:$0x1D000] =	vst v63  }
0x41: {  	_ =	swait.ge [sflag:s16], $0x4000  }
0x42: {  	s24 =	smov.u32 s26;
	[sflag:s16] =	ssyncset.done $0x0  }
0x43: {  	s23 =	sshra.s32 s23, $0x2;
	[sflag:s16] =	ssyncadd.s32 $0xFFFFC000  }
0x44: {  	[tilespmem:s15], [sflag:$0x1] =	stream.indirect.gather [hbm4b:s4+s18], $0x80, s23, s18, $0xb8;
	[tilespmem:$0x1D000] =	vst v63  }
0x45: {  	_ =	swait.ge [sflag:s19], $0x4000  }
0x46: {  	[sflag:s19] =	ssyncset.done $0x0  }
0x47: {  	s23 =	sadd.s32 $0x2800, s23;
	[sflag:s19] =	ssyncadd.s32 $0xFFFFC000  }
0x48: {  	[spmem:s2] =	stream.indirect.scatter.add.f32 [tilespmem:s15], [sflag:$0x2], $0x80, s23, s18, $0xb8;
	[tilespmem:$0x1D000] =	vst v63  }
0x49: {  	_ =	swait.ge [sflag:s16], $0x4000  }
0x4a: {  	s22 =	sadd.s32 $0x1, s22;
	[sflag:s16] =	ssyncset.done $0x0  }
0x4b: {  	p0 =	sne.s32 s22, s14;
	[sflag:s16] =	ssyncadd.s32 $0xFFFFC000  }
.Ltmp1:
0x4c: {  	[bflag:$0x0] =	sbarrier.arrive $0xFFFF;
	(pc) =	sbr.rel @p0 .LBB2_1-.Ltmp1, $4  }
0x4d: {  	[hbm:s13], [sflag:s20] =	dma.local [spmem:s21], $0x2800  }
0x4e: {  	_ =	swait.ge [sflag:s16], $0x2800  }
0x4f: {  	[sflag:s16] =	ssyncset.done $0x0  }
0x50: {  	[sflag:s16] =	ssyncadd.s32 $0xFFFFD800  }
0x51: {  	_ =	sfence.sel $0x180000  }
0x52: {  	[bflag:$0x0] =	sbarrier.arrive $0xFFFF  }
0x53: {  	p0 =	sne.s32 s0, $0x0;
	_ =	strace $0x9000004A  }
0x54: {  	s0 =	sadd.s32 @!p0 $0x100000, s1;
	[bflag:$0x2] =	sbarrier.arrive $0xFFFF  }
0x55: {  	[sflag:s0] =	ssyncadd.tile.s32 @!p0 $0x1;
	_ =	shalt  }
.Lfunc_end2:
_tile_overlayer_lowered:
.L_overlay_start_2:
0x56: {  	(tag) =	ssettag $0x2  }
0x57: {  	s0 =	rddreg [dreg:$0x0];
	s2 =	stileid.u32  }
0x58: {  	s1 =	rddreg [dreg:$0x1];
	p0 =	sne.s32 s2, $0x0  }
0x59: {  	s3 =	rddreg [dreg:$0x2];
	[bflag:$0x3] =	sbarrier.arrive $0xFFFF;
	s2 =	simm.s32 @!p0 $0x1C02  }
0x5a: {  	[timem:s3], [sflag:s2] =	dma.local @!p0 [hbm:s0], s1  }
0x5b: {  	s0 =	simm.s32 @!p0 $0x2  }
0x5c: {  	_ =	swait.ge @!p0 [sflag:s0], s1  }
0x5d: {  	s1 =	ssub.s32 @!p0 $0x0, s1;
	[sflag:s0] =	ssyncset.done @!p0 $0x0  }
0x5e: {  	[sflag:s0] =	ssyncadd.s32 @!p0 s1  }
0x5f: {  	[bflag:$0x3] =	sbarrier.arrive $0xFFFF  }
0x60: {  	_ =	shalt  }

// kernel: kernel.15.cloned.1.call-start
scs
__scs_entry_jumppad:
0x0: {  	(pc) =	sbr.rel $0x88, $3  }
0x1: {  	(tag) =	ssettag $0x0;
	lr =	simm.s32 $0x1  }
0x2: {  	[smem:$0x3F92] =	sst lr;
	_ =	strace $0xD0000000  }
0x3: {  	_ = 	snop  }
0x4: {  	_ = 	snop  }
0x5: {  	_ = 	snop  }
0x6: {  	_ = 	snop  }
0x7: {  	_ = 	snop  }
__scs_overlays_trampoline_lowered:
0x8: {  	[smem:$0x3FA1] =	sst s0  }
0x9: {  	[smem:$0x3FA2] =	sst s1  }
0xa: {  	[smem:$0x3FA3] =	sst s2  }
0xb: {  	[smem:$0x3FA4] =	sst s3  }
0xc: {  	[smem:$0x3FA5] =	sst s4  }
0xd: {  	[smem:$0x3FA6] =	sst s5  }
0xe: {  	[smem:$0x3FA7] =	sst s6  }
0xf: {  	[smem:$0x3FA8] =	sst s7  }
0x10: {  	[smem:$0x3FA9] =	sst s8  }
0x11: {  	[smem:$0x3FAA] =	sst s9;
	s0 =	simm.s32 @!p0 $0x0  }
0x12: {  	s1 =	sld [smem:$0x3F90];
	s0 =	simm.s32 @p0 $0x1  }
0x13: {  	[smem:$0x3FAB] =	sst s0;
	s0 =	simm.s32 @!p1 $0x0  }
0x14: {  	s2 =	sld [smem:$0x3F8F];
	s0 =	simm.s32 @p1 $0x1  }
0x15: {  	[smem:$0x3FAC] =	sst s0;
	s0 =	simm.s32 @!p2 $0x0  }
0x16: {  	s3 =	sld [smem:$0x3FDB];
	s0 =	simm.s32 @p2 $0x1  }
0x17: {  	s4 =	simm.s32 $0x1BF5;
	[smem:$0x3FAE] =	sst s0  }
0x18: {  	s0 =	sld [smem:$0x3F91];
	_ =	swait.ge [sflag:s4], $0x0  }
0x19: {  	s7 =	sld [smem:$0x3F92]  }
0x1a: {  	s8 =	sadd.s32 $0xFFFFE003, lr  }
0x1b: {  	s9 =	sadd.s32 $0xFFFFFEF7, lr;
	s5 =	simm.s32 $0xFFFFFFFF;
	p2 =	slt.u32 s8, $0xFFFFF086  }
0x1c: {  	p1 =	slt.u32 s9, $0xF7A;
	s5 =	simm.s32 @!p2 $0x0  }
0x1d: {  	s5 =	simm.s32 @p1 $0x1;
	p0 =	seq.s32 s7, s2  }
0x1e: {  	s7 =	smul.u32 @!p0 $0xF7A, s2;
	p2 =	seq.s32 @!p0 s5, $0x0  }
0x1f: {  	s9 =	smul.u32 $0xF7A, s1;
	s8 =	simm.s32 @!p0 $0x1BF5;
	p2 =	por !p2, p0  }
0x20: {  	[sflag:s8] =	ssyncset.s32 @!p0 $0xFFFFF086;
	s6 =	sadd.s32 @!p0 s3, s7;
	s7 =	simm.s32 @!p0 $0x108  }
0x21: {  	s3 =	sadd.s32 s3, s9;
	s6 =	sadd.s32 @!p0 $0x88, s6;
	s7 =	simm.s32 @p2 $0x1082  }
0x22: {  	[simem:s7], [sflag:s8] =	dma.local @!p0 [hbm:s6], $0xF7A  }
0x23: {  	s9 =	sor.u32 $0xD0000000, s2;
	s6 =	simm.s32 $0x108;
	_ =	swait.ge @!p0 [sflag:s8], $0x0  }
0x24: {  	s3 =	sadd.s32 $0x88, s3;
	s6 =	simm.s32 @!p1 $0x1082;
	[sflag:s4] =	ssyncset.s32 $0xFFFFF086  }
0x25: {  	[simem:s6], [sflag:s4] =	dma.local [hbm:s3], $0xF7A  }
0x26: {  	[smem:$0x3F92] =	sst s1;
	(tag) =	ssettag s2;
	_ =	strace s9  }
0x27: {  	s1 =	sld [smem:$0x3FA2]  }
0x28: {  	s2 =	sld [smem:$0x3FA3]  }
0x29: {  	s4 =	sld [smem:$0x3FA5]  }
0x2a: {  	p0 =	seq.s32 s5, $0x0;
	s5 =	sld [smem:$0x3FA6]  }
0x2b: {  	s6 =	sld [smem:$0x3FA7]  }
0x2c: {  	s7 =	sld [smem:$0x3FA8]  }
0x2d: {  	s3 =	simm.s32 $0x108;
	s8 =	sld [smem:$0x3FA9]  }
0x2e: {  	s3 =	simm.s32 @!p0 $0x1082;
	s9 =	sld [smem:$0x3FAA]  }
0x2f: {  	lr =	sadd.s32 s0, s3;
	s0 =	sld [smem:$0x3FA1]  }
0x30: {  	s3 =	sld [smem:$0x3FA4]  }
0x31: {  	[smem:$0x3FAD] =	sst s10  }
0x32: {  	s10 =	sld [smem:$0x3FAB];
	_ =	sdelay $0x3  }
0x33: {  	p0 =	seq.s32 s10, $0x1;
	s10 =	sld [smem:$0x3FAD];
	_ =	sdelay $0x3  }
0x34: {  	[smem:$0x3FAD] =	sst s10  }
0x35: {  	s10 =	sld [smem:$0x3FAC];
	_ =	sdelay $0x3  }
0x36: {  	p1 =	seq.s32 s10, $0x1;
	s10 =	sld [smem:$0x3FAD];
	_ =	sdelay $0x3  }
0x37: {  	[smem:$0x3FAD] =	sst s10  }
0x38: {  	s10 =	sld [smem:$0x3FAE]  }
0x39: {  	_ = 	snop;
	(pc) =	sbr.ind lr, $3  }
0x3a: {  	_ = 	snop  }
0x3b: {  	_ = 	snop  }
0x3c: {  	p2 =	seq.s32 s10, $0x1;
	s10 =	sld [smem:$0x3FAD]  }
0x3d: {  	_ =	shalt  }
0x3e: {  	_ =	shalt  }
0x3f: {  	_ =	shalt  }
0x40: {  	_ =	shalt  }
0x41: {  	_ =	shalt  }
0x42: {  	_ =	shalt  }
0x43: {  	_ =	shalt  }
0x44: {  	_ =	shalt  }
0x45: {  	_ =	shalt  }
0x46: {  	_ =	shalt  }
0x47: {  	_ =	shalt  }
0x48: {  	_ =	shalt  }
0x49: {  	_ =	shalt  }
0x4a: {  	_ =	shalt  }
0x4b: {  	_ =	shalt  }
0x4c: {  	_ =	shalt  }
0x4d: {  	_ =	shalt  }
0x4e: {  	_ =	shalt  }
0x4f: {  	_ =	shalt  }
0x50: {  	_ =	shalt  }
0x51: {  	_ =	shalt  }
0x52: {  	_ =	shalt  }
0x53: {  	_ =	shalt  }
0x54: {  	_ =	shalt  }
0x55: {  	_ =	shalt  }
0x56: {  	_ =	shalt  }
0x57: {  	_ =	shalt  }
0x58: {  	_ =	shalt  }
0x59: {  	_ =	shalt  }
0x5a: {  	_ =	shalt  }
0x5b: {  	_ =	shalt  }
0x5c: {  	_ =	shalt  }
0x5d: {  	_ =	shalt  }
0x5e: {  	_ =	shalt  }
0x5f: {  	_ =	shalt  }
0x60: {  	_ =	shalt  }
0x61: {  	_ =	shalt  }
0x62: {  	_ =	shalt  }
0x63: {  	_ =	shalt  }
0x64: {  	_ =	shalt  }
0x65: {  	_ =	shalt  }
0x66: {  	_ =	shalt  }
0x67: {  	_ =	shalt  }
0x68: {  	_ =	shalt  }
0x69: {  	_ =	shalt  }
0x6a: {  	_ =	shalt  }
0x6b: {  	_ =	shalt  }
0x6c: {  	_ =	shalt  }
0x6d: {  	_ =	shalt  }
0x6e: {  	_ =	shalt  }
0x6f: {  	_ =	shalt  }
0x70: {  	_ =	shalt  }
0x71: {  	_ =	shalt  }
0x72: {  	_ =	shalt  }
0x73: {  	_ =	shalt  }
0x74: {  	_ =	shalt  }
0x75: {  	_ =	shalt  }
0x76: {  	_ =	shalt  }
0x77: {  	_ =	shalt  }
0x78: {  	_ =	shalt  }
0x79: {  	_ =	shalt  }
0x7a: {  	_ =	shalt  }
0x7b: {  	_ =	shalt  }
0x7c: {  	_ =	shalt  }
0x7d: {  	_ =	shalt  }
0x7e: {  	_ =	shalt  }
0x7f: {  	_ =	shalt  }
0x80: {  	_ =	shalt  }
0x81: {  	_ =	shalt  }
0x82: {  	_ =	shalt  }
0x83: {  	_ =	shalt  }
0x84: {  	_ =	shalt  }
0x85: {  	_ =	shalt  }
0x86: {  	_ =	shalt  }
0x87: {  	_ =	shalt  }
.Lfunc_end0:
.L_simem_size_0:
called_computation.2_lowered:
.L_overlay_start_0:
0x88: {  	s2 =	sld [smem:$0x3FD9]  }
0x89: {  	s3 =	sld [smem:$0x3FFE];
	_ =	sdelay $0x1  }
0x8a: {  	s1 =	srdreg.scid  }
0x8b: {  	s0 =	sand.u32 $0x1, s1  }
0x8c: {  	s17 =	sshll.u32 s0, $0xA;
	s2 =	sadd.s32 s3, s2  }
0x8d: {  	s2 =	sadd.s32 s2, s17  }
0x8e: {  	[smem:$0x3FB9] =	sst s2  }
0x8f: {  	_ = 	snop  }
0x90: {  	s2 =	sld [smem:$0x3FD0];
	(tm) =	ssettm $0x1  }
0x91: {  	s18 =	sld [smem:$0x3FFB];
	_ =	sdelay $0x3  }
0x92: {  	_ =	strace s18  }
0x93: {  	s3 =	sld [smem:$0x3FFC];
	_ =	sdelay $0x3  }
0x94: {  	_ =	strace s3  }
0x95: {  	s3 =	sld [smem:$0x3FFD];
	_ =	sdelay $0x3  }
0x96: {  	_ =	strace s3  }
0x97: {  	_ =	strace $0x8FFFFFFF  }
0x98: {  	s19 =	sld [smem:$0x3FDB];
	_ =	sdelay $0x1  }
0x99: {  	s4 =	simm.s32 $_scs_section_size  }
0x9a: {  	s5 =	simm.s32 $_size__tile_overlayer_lowered;
	s6 =	simm.s32 $_tile_overlayer_lowered  }
0x9b: {  	s22 =	simm.s32 $0x1BFF;
	s21 =	sshll.u32 s6, $0x1;
	s3 =	sadd.s32 s4, s19  }
0x9c: {  	s7 =	simm.s32 $0x0;
	s20 =	sshll.u32 s5, $0x1;
	s5 =	sadd.s32 s21, s3  }
0x9d: {  	[timem:s7], [sflag:s22] =	dma.local [hbm:s5], s20  }
0x9e: {  	_ =	swait.ge [sflag:s22], s20  }
0x9f: {  	s4 =	ssub.s32 $0x0, s20;
	[sflag:s22] =	ssyncset.done $0x0  }
0xa0: {  	[sflag:s22] =	ssyncadd.s32 s4;
	_ =	sdelay $0x1  }
0xa1: {  	s23 =	simm.s32 $0x1B8B  }
0xa2: {  	_ =	swait.ge [sflag:s23], $0x1  }
0xa3: {  	[sflag:s23] =	ssyncset.done $0x0  }
0xa4: {  	s25 =	simm.s32 $0x1B8E;
	s24 =	sld [smem:$0x3FFE];
	[sflag:s23] =	ssyncadd.s32 $0xFFFFFFFF  }
0xa5: {  	s26 =	simm.s32 $execute0_lowered;
	[smem:$0x3FD2] =	sst s25  }
0xa6: {  	s5 =	sshll.u32 s26, $0x1;
	_ =	strace $0x8000004C;
	[dreg:$0x1] =	wrdreg $0xFFFFFFFF  }
0xa7: {  	s28 =	simm.s32 $_size_execute0_lowered;
	s3 =	sadd.s32 s3, s5;
	[dreg:$0x0] =	wrdreg $0x0  }
0xa8: {  	s5 =	sshll.u32 s28, $0x1;
	[dreg:$0x2] =	wrdreg s3  }
0xa9: {  	[dreg:$0x3] =	wrdreg s5  }
0xaa: {  	[dreg:$0x4] =	wrdreg $0xC0  }
0xab: {  	_ =	task [dreg:s7], $0x5FFFF  }
0xac: {  	[dreg:$0x1] =	wrdreg $0xFFFFFFFF  }
0xad: {  	[dreg:$0x0] =	wrdreg $0x60  }
0xae: {  	[dreg:$0x2] =	wrdreg s24  }
0xaf: {  	[dreg:$0x3] =	wrdreg s2  }
0xb0: {  	[dreg:$0x4] =	wrdreg $0x90000  }
0xb1: {  	[dreg:$0x5] =	wrdreg $0x9  }
0xb2: {  	_ =	task.clear_ibuf [dreg:s7], $0x6FFFF;
	_ =	strace $0x9000004C  }
0xb3: {  	s29 =	simm.s32 $0x9;
	_ =	strace $0x8000004E  }
0xb4: {  	_ =	swait.ge [sflag:s29], $0x1  }
0xb5: {  	[sflag:s29] =	ssyncadd.s32 $0xFFFFFFFF  }
0xb6: {  	_ =	strace $0x9000004E  }
0xb7: {  	_ =	sfence  }
0xb8: {  	s30 =	sld [smem:$0x0];
	_ =	sdelay $0x2  }
0xb9: {  	s31 =	sshll.u32 s1, $0xD;
	s1 =	sshrl.u32 s1, $0x2  }
0xba: {  	s3 =	sand.u32 $0x4000, s31;
	s1 =	sadd.s32 s1, s30  }
0xbb: {  	s0 =	sor.u32 s3, s0;
	s1 =	sshll.u32 s1, $0x11  }
0xbc: {  	s0 =	sor.u32 s1, s0  }
0xbd: {  	s0 =	sadd.s32 $0x8F2B, s0  }
0xbe: {  	[sflag:s0] =	ssyncadd.remote.s32 $0x1  }
0xbf: {  	_ =	sfence.sel $0xFFFF  }
0xc0: {  	[dreg:$0x0] =	wrdreg $0xFFFFFFFF;
	(pc) =	sbr.abs _section_cstart, $3  }
0xc1: {  	[dreg:$0x1] =	wrdreg $0xFFFFFFFF  }
0xc2: {  	_ =	task.clear_ibuf [dreg:s7], $0x2FFFF;
	_ =	strace $0x9FFFFFFF  }
0xc3: {  	(tm) =	ssettm $0x7FFFFFFF  }
tec
execute0_lowered:
.L_overlay_start_1:
0x0: {  	(tag) =	ssettag $0x1  }
0x1: {  	s6 =	rddreg [dreg:$0x0]  }
0x2: {  	s11 =	rddreg [dreg:$0x1]  }
0x3: {  	s2 =	rddreg [dreg:$0x2]  }
0x4: {  	s0 =	srdreg.scid;
	s1 =	rddreg [dreg:$0x3]  }
0x5: {  	s3 =	simm.s32 $0x0;
	s16 =	simm.s32 $0x2;
	s7 =	sand.u32 $0x1, s0  }
0x6: {  	s17 =	simm.s32 $0x2800;
	s0 =	stileid.u32;
	s4 =	smul.u32 $0x500, s7  }
0x7: {  	s18 =	simm.s32 $0x80;
	s19 =	simm.s32 $0x1;
	s5 =	smul.u32 $0x50, s0  }
0x8: {  	s22 =	simm.s32 $0x0;
	[smem:$0x7FF] =	sst s3;
	s8 =	smul.u32 $0x2800, s0  }
0x9: {  	s9 =	smul.u32 $0x28000, s7;
	_ =	strace $0x8000004D;
	s7 =	ssub.s32 $0x2, s7  }
0xa: {  	s10 =	smul.u32 $0x50000, s0;
	s20 =	sshll.u32 s0, $0x6;
	s31 =	sshrl.u32 s7, $0x1  }
0xb: {  	s20 =	sor.u32 $0x1C02, s20;
	s4 =	sadd.s32 s5, s4;
	s5 =	sadd.s32 $0x35400, s6  }
0xc: {  	s8 =	sadd.s32 s8, s9;
	s30 =	sshrl.u32 s10, $0x2;
	s15 =	ssub.s32 s7, s31  }
0xd: {  	s12 =	sshll.u32 s4, $0x4;
	s4 =	sadd.s32 $0x3400, s6;
	s14 =	sadd.s32 s8, s6  }
0xe: {  	s13 =	sadd.s32 s12, s6;
	s6 =	sadd.s32 s30, s2;
	s11 =	sadd.s32 s11, s12  }
0xf: {  	s7 =	sadd.s32 $0x4000, s6;
	s8 =	sadd.s32 $0x8000, s6;
	s9 =	sadd.s32 $0xC000, s6  }
0x10: {  	s10 =	sadd.s32 $0x10000, s6;
	s12 =	sadd.s32 $0x2B400, s13;
	s13 =	sadd.s32 $0x35C00, s14  }
0x11: {  	s14 =	smax.u32 s15, $0x1;
	s15 =	simm.s32 $0x5000;
	s21 =	sshrl.u32 s6, $0x3  }
.LBB2_1:
0x12: {  	[tilespmem:s15], [sflag:$0x2] =	stream.linear.gather [hbm4b:s5+s3], $0x4000, $0x38;
	[tilespmem:$0x1D000] =	vst v63  }
0x13: {  	_ =	swait.ge [sflag:s16], $0x4000  }
0x14: {  	[sflag:s16] =	ssyncset.done $0x0  }
0x15: {  	[sflag:s16] =	ssyncadd.s32 $0xFFFFC000  }
0x16: {  	[spmem:s6] =	stream.linear.scatter [tilespmem:s15], [sflag:$0x2], $0x4000, $0x38;
	[tilespmem:$0x1D000] =	vst v63  }
0x17: {  	_ =	swait.ge [sflag:s16], $0x4000  }
0x18: {  	[sflag:s16] =	ssyncset.done $0x0  }
0x19: {  	[sflag:s16] =	ssyncadd.s32 $0xFFFFC000  }
0x1a: {  	[spmem:s7] =	stream.linear.scatter [tilespmem:s15], [sflag:$0x2], $0x4000, $0x38;
	[tilespmem:$0x1D000] =	vst v63  }
0x1b: {  	_ =	swait.ge [sflag:s16], $0x4000  }
0x1c: {  	[sflag:s16] =	ssyncset.done $0x0  }
0x1d: {  	[sflag:s16] =	ssyncadd.s32 $0xFFFFC000  }
0x1e: {  	[spmem:s8] =	stream.linear.scatter [tilespmem:s15], [sflag:$0x2], $0x4000, $0x38;
	[tilespmem:$0x1D000] =	vst v63  }
0x1f: {  	_ =	swait.ge [sflag:s16], $0x4000  }
0x20: {  	[sflag:s16] =	ssyncset.done $0x0  }
0x21: {  	[sflag:s16] =	ssyncadd.s32 $0xFFFFC000  }
0x22: {  	[spmem:s9] =	stream.linear.scatter [tilespmem:s15], [sflag:$0x2], $0x4000, $0x38;
	[tilespmem:$0x1D000] =	vst v63  }
0x23: {  	_ =	swait.ge [sflag:s16], $0x4000  }
0x24: {  	[sflag:s16] =	ssyncset.done $0x0  }
0x25: {  	[sflag:s16] =	ssyncadd.s32 $0xFFFFC000  }
0x26: {  	[spmem:s10] =	stream.linear.scatter [tilespmem:s15], [sflag:$0x2], $0x4000, $0x38;
	[tilespmem:$0x1D000] =	vst v63  }
0x27: {  	_ =	swait.ge [sflag:s16], $0x4000  }
0x28: {  	[sflag:s16] =	ssyncset.done $0x0  }
0x29: {  	[sflag:s16] =	ssyncadd.s32 $0xFFFFC000  }
0x2a: {  	[tilespmem:s3], [sflag:$0x2] =	stream.linear.gather [hbm4b:s11+s3], $0x2800, $0x38;
	[tilespmem:$0x1D000] =	vst v63  }
0x2b: {  	_ =	swait.ge [sflag:s16], $0x2800  }
0x2c: {  	[sflag:s16] =	ssyncset.done $0x0  }
0x2d: {  	[sflag:s16] =	ssyncadd.s32 $0xFFFFD800  }
0x2e: {  	[tilespmem:s17], [sflag:$0x2] =	stream.linear.gather [hbm4b:s12+s3], $0x2800, $0x38;
	[tilespmem:$0x1D000] =	vst v63  }
0x2f: {  	_ =	swait.ge [sflag:s16], $0x2800  }
0x30: {  	[sflag:s16] =	ssyncset.done $0x0  }
0x31: {  	[sflag:s16] =	ssyncadd.s32 $0xFFFFD800  }
0x32: {  	s23 =	simm.s32 $0x0;
	[bflag:$0x0] =	sbarrier.arrive $0xFFFF  }
0x33: {  	[tilespmem:s15], [sflag:$0x1] =	stream.indirect.gather [hbm4b:s4+s18], $0x80, s23, s18, $0xb8;
	[tilespmem:$0x1D000] =	vst v63  }
0x34: {  	_ =	swait.ge [sflag:s19], $0x4000  }
0x35: {  	[sflag:s19] =	ssyncset.done $0x0  }
0x36: {  	s31 =	simm.s32 $0x2800;
	[sflag:s19] =	ssyncadd.s32 $0xFFFFC000  }
0x37: {  	[spmem:s2] =	stream.indirect.scatter.add.f32 [tilespmem:s15], [sflag:$0x2], $0x80, s31, s18, $0xb8;
	[tilespmem:$0x1D000] =	vst v63  }
0x38: {  	_ =	swait.ge [sflag:s16], $0x4000  }
0x39: {  	s24 =	simm.s32 $0x400;
	s23 =	simm.s32 $0x200;
	[sflag:s16] =	ssyncset.done $0x0  }
.LBB2_2:
0x3a: {  	s25 =	sshra.s32 s23, $0x2  }
0x3b: {  	[sflag:s16] =	ssyncadd.s32 $0xFFFFC000;
	s23 =	smov.u32 s24;
	s26 =	sadd.s32 $0x200, s24  }
0x3c: {  	[tilespmem:s15], [sflag:$0x1] =	stream.indirect.gather [hbm4b:s4+s18], $0x80, s25, s18, $0xb8;
	[tilespmem:$0x1D000] =	vst v63  }
0x3d: {  	p0 =	sne.s32 s24, $0x9E00;
	_ =	swait.ge [sflag:s19], $0x4000  }
.Ltmp0:
0x3e: {  	[sflag:s19] =	ssyncset.done $0x0;
	(pc) =	sbr.rel @p0 .LBB2_2-.Ltmp0, $4  }
0x3f: {  	s24 =	sadd.s32 $0x2800, s25;
	[sflag:s19] =	ssyncadd.s32 $0xFFFFC000  }
0x40: {  	[spmem:s2] =	stream.indirect.scatter.add.f32 [tilespmem:s15], [sflag:$0x2], $0x80, s24, s18, $0xb8;
	[tilespmem:$0x1D000] =	vst v63  }
0x41: {  	_ =	swait.ge [sflag:s16], $0x4000  }
0x42: {  	s24 =	smov.u32 s26;
	[sflag:s16] =	ssyncset.done $0x0  }
0x43: {  	s23 =	sshra.s32 s23, $0x2;
	[sflag:s16] =	ssyncadd.s32 $0xFFFFC000  }
0x44: {  	[tilespmem:s15], [sflag:$0x1] =	stream.indirect.gather [hbm4b:s4+s18], $0x80, s23, s18, $0xb8;
	[tilespmem:$0x1D000] =	vst v63  }
0x45: {  	_ =	swait.ge [sflag:s19], $0x4000  }
0x46: {  	[sflag:s19] =	ssyncset.done $0x0  }
0x47: {  	s23 =	sadd.s32 $0x2800, s23;
	[sflag:s19] =	ssyncadd.s32 $0xFFFFC000  }
0x48: {  	[spmem:s2] =	stream.indirect.scatter.add.f32 [tilespmem:s15], [sflag:$0x2], $0x80, s23, s18, $0xb8;
	[tilespmem:$0x1D000] =	vst v63  }
0x49: {  	_ =	swait.ge [sflag:s16], $0x4000  }
0x4a: {  	s22 =	sadd.s32 $0x1, s22;
	[sflag:s16] =	ssyncset.done $0x0  }
0x4b: {  	p0 =	sne.s32 s22, s14;
	[sflag:s16] =	ssyncadd.s32 $0xFFFFC000  }
.Ltmp1:
0x4c: {  	[bflag:$0x0] =	sbarrier.arrive $0xFFFF;
	(pc) =	sbr.rel @p0 .LBB2_1-.Ltmp1, $4  }
0x4d: {  	[hbm:s13], [sflag:s20] =	dma.local [spmem:s21], $0x2800  }
0x4e: {  	_ =	swait.ge [sflag:s16], $0x2800  }
0x4f: {  	[sflag:s16] =	ssyncset.done $0x0  }
0x50: {  	[sflag:s16] =	ssyncadd.s32 $0xFFFFD800  }
0x51: {  	_ =	sfence.sel $0x180000  }
0x52: {  	[bflag:$0x0] =	sbarrier.arrive $0xFFFF  }
0x53: {  	p0 =	sne.s32 s0, $0x0;
	_ =	strace $0x9000004D  }
0x54: {  	s0 =	sadd.s32 @!p0 $0x100000, s1;
	[bflag:$0x2] =	sbarrier.arrive $0xFFFF  }
0x55: {  	[sflag:s0] =	ssyncadd.tile.s32 @!p0 $0x1;
	_ =	shalt  }
.Lfunc_end2:
_tile_overlayer_lowered:
.L_overlay_start_2:
0x56: {  	(tag) =	ssettag $0x2  }
0x57: {  	s0 =	rddreg [dreg:$0x0];
	s2 =	stileid.u32  }
0x58: {  	s1 =	rddreg [dreg:$0x1];
	p0 =	sne.s32 s2, $0x0  }
0x59: {  	s3 =	rddreg [dreg:$0x2];
	[bflag:$0x3] =	sbarrier.arrive $0xFFFF;
	s2 =	simm.s32 @!p0 $0x1C02  }
0x5a: {  	[timem:s3], [sflag:s2] =	dma.local @!p0 [hbm:s0], s1  }
0x5b: {  	s0 =	simm.s32 @!p0 $0x2  }
0x5c: {  	_ =	swait.ge @!p0 [sflag:s0], s1  }
0x5d: {  	s1 =	ssub.s32 @!p0 $0x0, s1;
	[sflag:s0] =	ssyncset.done @!p0 $0x0  }
0x5e: {  	[sflag:s0] =	ssyncadd.s32 @!p0 s1  }
0x5f: {  	[bflag:$0x3] =	sbarrier.arrive $0xFFFF  }
0x60: {  	_ =	shalt  }

// kernel: kernel.9.cloned.1.call-start
scs
__scs_entry_jumppad:
0x0: {  	(pc) =	sbr.rel $0x88, $3  }
0x1: {  	(tag) =	ssettag $0x0;
	lr =	simm.s32 $0x1  }
0x2: {  	[smem:$0x3F92] =	sst lr;
	_ =	strace $0xD0000000  }
0x3: {  	_ = 	snop  }
0x4: {  	_ = 	snop  }
0x5: {  	_ = 	snop  }
0x6: {  	_ = 	snop  }
0x7: {  	_ = 	snop  }
__scs_overlays_trampoline_lowered:
0x8: {  	[smem:$0x3FA1] =	sst s0  }
0x9: {  	[smem:$0x3FA2] =	sst s1  }
0xa: {  	[smem:$0x3FA3] =	sst s2  }
0xb: {  	[smem:$0x3FA4] =	sst s3  }
0xc: {  	[smem:$0x3FA5] =	sst s4  }
0xd: {  	[smem:$0x3FA6] =	sst s5  }
0xe: {  	[smem:$0x3FA7] =	sst s6  }
0xf: {  	[smem:$0x3FA8] =	sst s7  }
0x10: {  	[smem:$0x3FA9] =	sst s8  }
0x11: {  	[smem:$0x3FAA] =	sst s9;
	s0 =	simm.s32 @!p0 $0x0  }
0x12: {  	s1 =	sld [smem:$0x3F90];
	s0 =	simm.s32 @p0 $0x1  }
0x13: {  	[smem:$0x3FAB] =	sst s0;
	s0 =	simm.s32 @!p1 $0x0  }
0x14: {  	s2 =	sld [smem:$0x3F8F];
	s0 =	simm.s32 @p1 $0x1  }
0x15: {  	[smem:$0x3FAC] =	sst s0;
	s0 =	simm.s32 @!p2 $0x0  }
0x16: {  	s3 =	sld [smem:$0x3FDB];
	s0 =	simm.s32 @p2 $0x1  }
0x17: {  	s4 =	simm.s32 $0x1BF5;
	[smem:$0x3FAE] =	sst s0  }
0x18: {  	s0 =	sld [smem:$0x3F91];
	_ =	swait.ge [sflag:s4], $0x0  }
0x19: {  	s7 =	sld [smem:$0x3F92]  }
0x1a: {  	s8 =	sadd.s32 $0xFFFFE003, lr  }
0x1b: {  	s9 =	sadd.s32 $0xFFFFFEF7, lr;
	s5 =	simm.s32 $0xFFFFFFFF;
	p2 =	slt.u32 s8, $0xFFFFF086  }
0x1c: {  	p1 =	slt.u32 s9, $0xF7A;
	s5 =	simm.s32 @!p2 $0x0  }
0x1d: {  	s5 =	simm.s32 @p1 $0x1;
	p0 =	seq.s32 s7, s2  }
0x1e: {  	s7 =	smul.u32 @!p0 $0xF7A, s2;
	p2 =	seq.s32 @!p0 s5, $0x0  }
0x1f: {  	s9 =	smul.u32 $0xF7A, s1;
	s8 =	simm.s32 @!p0 $0x1BF5;
	p2 =	por !p2, p0  }
0x20: {  	[sflag:s8] =	ssyncset.s32 @!p0 $0xFFFFF086;
	s6 =	sadd.s32 @!p0 s3, s7;
	s7 =	simm.s32 @!p0 $0x108  }
0x21: {  	s3 =	sadd.s32 s3, s9;
	s6 =	sadd.s32 @!p0 $0x88, s6;
	s7 =	simm.s32 @p2 $0x1082  }
0x22: {  	[simem:s7], [sflag:s8] =	dma.local @!p0 [hbm:s6], $0xF7A  }
0x23: {  	s9 =	sor.u32 $0xD0000000, s2;
	s6 =	simm.s32 $0x108;
	_ =	swait.ge @!p0 [sflag:s8], $0x0  }
0x24: {  	s3 =	sadd.s32 $0x88, s3;
	s6 =	simm.s32 @!p1 $0x1082;
	[sflag:s4] =	ssyncset.s32 $0xFFFFF086  }
0x25: {  	[simem:s6], [sflag:s4] =	dma.local [hbm:s3], $0xF7A  }
0x26: {  	[smem:$0x3F92] =	sst s1;
	(tag) =	ssettag s2;
	_ =	strace s9  }
0x27: {  	s1 =	sld [smem:$0x3FA2]  }
0x28: {  	s2 =	sld [smem:$0x3FA3]  }
0x29: {  	s4 =	sld [smem:$0x3FA5]  }
0x2a: {  	p0 =	seq.s32 s5, $0x0;
	s5 =	sld [smem:$0x3FA6]  }
0x2b: {  	s6 =	sld [smem:$0x3FA7]  }
0x2c: {  	s7 =	sld [smem:$0x3FA8]  }
0x2d: {  	s3 =	simm.s32 $0x108;
	s8 =	sld [smem:$0x3FA9]  }
0x2e: {  	s3 =	simm.s32 @!p0 $0x1082;
	s9 =	sld [smem:$0x3FAA]  }
0x2f: {  	lr =	sadd.s32 s0, s3;
	s0 =	sld [smem:$0x3FA1]  }
0x30: {  	s3 =	sld [smem:$0x3FA4]  }
0x31: {  	[smem:$0x3FAD] =	sst s10  }
0x32: {  	s10 =	sld [smem:$0x3FAB];
	_ =	sdelay $0x3  }
0x33: {  	p0 =	seq.s32 s10, $0x1;
	s10 =	sld [smem:$0x3FAD];
	_ =	sdelay $0x3  }
0x34: {  	[smem:$0x3FAD] =	sst s10  }
0x35: {  	s10 =	sld [smem:$0x3FAC];
	_ =	sdelay $0x3  }
0x36: {  	p1 =	seq.s32 s10, $0x1;
	s10 =	sld [smem:$0x3FAD];
	_ =	sdelay $0x3  }
0x37: {  	[smem:$0x3FAD] =	sst s10  }
0x38: {  	s10 =	sld [smem:$0x3FAE]  }
0x39: {  	_ = 	snop;
	(pc) =	sbr.ind lr, $3  }
0x3a: {  	_ = 	snop  }
0x3b: {  	_ = 	snop  }
0x3c: {  	p2 =	seq.s32 s10, $0x1;
	s10 =	sld [smem:$0x3FAD]  }
0x3d: {  	_ =	shalt  }
0x3e: {  	_ =	shalt  }
0x3f: {  	_ =	shalt  }
0x40: {  	_ =	shalt  }
0x41: {  	_ =	shalt  }
0x42: {  	_ =	shalt  }
0x43: {  	_ =	shalt  }
0x44: {  	_ =	shalt  }
0x45: {  	_ =	shalt  }
0x46: {  	_ =	shalt  }
0x47: {  	_ =	shalt  }
0x48: {  	_ =	shalt  }
0x49: {  	_ =	shalt  }
0x4a: {  	_ =	shalt  }
0x4b: {  	_ =	shalt  }
0x4c: {  	_ =	shalt  }
0x4d: {  	_ =	shalt  }
0x4e: {  	_ =	shalt  }
0x4f: {  	_ =	shalt  }
0x50: {  	_ =	shalt  }
0x51: {  	_ =	shalt  }
0x52: {  	_ =	shalt  }
0x53: {  	_ =	shalt  }
0x54: {  	_ =	shalt  }
0x55: {  	_ =	shalt  }
0x56: {  	_ =	shalt  }
0x57: {  	_ =	shalt  }
0x58: {  	_ =	shalt  }
0x59: {  	_ =	shalt  }
0x5a: {  	_ =	shalt  }
0x5b: {  	_ =	shalt  }
0x5c: {  	_ =	shalt  }
0x5d: {  	_ =	shalt  }
0x5e: {  	_ =	shalt  }
0x5f: {  	_ =	shalt  }
0x60: {  	_ =	shalt  }
0x61: {  	_ =	shalt  }
0x62: {  	_ =	shalt  }
0x63: {  	_ =	shalt  }
0x64: {  	_ =	shalt  }
0x65: {  	_ =	shalt  }
0x66: {  	_ =	shalt  }
0x67: {  	_ =	shalt  }
0x68: {  	_ =	shalt  }
0x69: {  	_ =	shalt  }
0x6a: {  	_ =	shalt  }
0x6b: {  	_ =	shalt  }
0x6c: {  	_ =	shalt  }
0x6d: {  	_ =	shalt  }
0x6e: {  	_ =	shalt  }
0x6f: {  	_ =	shalt  }
0x70: {  	_ =	shalt  }
0x71: {  	_ =	shalt  }
0x72: {  	_ =	shalt  }
0x73: {  	_ =	shalt  }
0x74: {  	_ =	shalt  }
0x75: {  	_ =	shalt  }
0x76: {  	_ =	shalt  }
0x77: {  	_ =	shalt  }
0x78: {  	_ =	shalt  }
0x79: {  	_ =	shalt  }
0x7a: {  	_ =	shalt  }
0x7b: {  	_ =	shalt  }
0x7c: {  	_ =	shalt  }
0x7d: {  	_ =	shalt  }
0x7e: {  	_ =	shalt  }
0x7f: {  	_ =	shalt  }
0x80: {  	_ =	shalt  }
0x81: {  	_ =	shalt  }
0x82: {  	_ =	shalt  }
0x83: {  	_ =	shalt  }
0x84: {  	_ =	shalt  }
0x85: {  	_ =	shalt  }
0x86: {  	_ =	shalt  }
0x87: {  	_ =	shalt  }
.Lfunc_end0:
.L_simem_size_0:
called_computation_lowered:
.L_overlay_start_0:
0x88: {  	s2 =	sld [smem:$0x3FD9]  }
0x89: {  	s3 =	sld [smem:$0x3FFE];
	_ =	sdelay $0x1  }
0x8a: {  	s1 =	srdreg.scid  }
0x8b: {  	s0 =	sand.u32 $0x1, s1  }
0x8c: {  	s17 =	sshll.u32 s0, $0xA;
	s2 =	sadd.s32 s3, s2  }
0x8d: {  	s2 =	sadd.s32 s2, s17  }
0x8e: {  	[smem:$0x3FB9] =	sst s2  }
0x8f: {  	_ = 	snop  }
0x90: {  	s2 =	sld [smem:$0x3FD0];
	(tm) =	ssettm $0x1  }
0x91: {  	s18 =	sld [smem:$0x3FFB];
	_ =	sdelay $0x3  }
0x92: {  	_ =	strace s18  }
0x93: {  	s3 =	sld [smem:$0x3FFC];
	_ =	sdelay $0x3  }
0x94: {  	_ =	strace s3  }
0x95: {  	s3 =	sld [smem:$0x3FFD];
	_ =	sdelay $0x3  }
0x96: {  	_ =	strace s3  }
0x97: {  	_ =	strace $0x8FFFFFFF  }
0x98: {  	s19 =	sld [smem:$0x3FDB];
	_ =	sdelay $0x1  }
0x99: {  	s4 =	simm.s32 $_scs_section_size  }
0x9a: {  	s5 =	simm.s32 $_size__tile_overlayer_lowered;
	s6 =	simm.s32 $_tile_overlayer_lowered  }
0x9b: {  	s22 =	simm.s32 $0x1BFF;
	s21 =	sshll.u32 s6, $0x1;
	s3 =	sadd.s32 s4, s19  }
0x9c: {  	s7 =	simm.s32 $0x0;
	s20 =	sshll.u32 s5, $0x1;
	s5 =	sadd.s32 s21, s3  }
0x9d: {  	[timem:s7], [sflag:s22] =	dma.local [hbm:s5], s20  }
0x9e: {  	_ =	swait.ge [sflag:s22], s20  }
0x9f: {  	s4 =	ssub.s32 $0x0, s20;
	[sflag:s22] =	ssyncset.done $0x0  }
0xa0: {  	[sflag:s22] =	ssyncadd.s32 s4;
	_ =	sdelay $0x1  }
0xa1: {  	s23 =	simm.s32 $0x1B8B  }
0xa2: {  	_ =	swait.ge [sflag:s23], $0x1  }
0xa3: {  	[sflag:s23] =	ssyncset.done $0x0  }
0xa4: {  	s25 =	simm.s32 $0x1B8E;
	s24 =	sld [smem:$0x3FFE];
	[sflag:s23] =	ssyncadd.s32 $0xFFFFFFFF  }
0xa5: {  	s26 =	simm.s32 $execute0_lowered;
	[smem:$0x3FD2] =	sst s25  }
0xa6: {  	s5 =	sshll.u32 s26, $0x1;
	_ =	strace $0x80000046;
	[dreg:$0x1] =	wrdreg $0xFFFFFFFF  }
0xa7: {  	s28 =	simm.s32 $_size_execute0_lowered;
	s3 =	sadd.s32 s3, s5;
	[dreg:$0x0] =	wrdreg $0x0  }
0xa8: {  	s5 =	sshll.u32 s28, $0x1;
	[dreg:$0x2] =	wrdreg s3  }
0xa9: {  	[dreg:$0x3] =	wrdreg s5  }
0xaa: {  	[dreg:$0x4] =	wrdreg $0xC0  }
0xab: {  	_ =	task [dreg:s7], $0x5FFFF  }
0xac: {  	[dreg:$0x1] =	wrdreg $0xFFFFFFFF  }
0xad: {  	[dreg:$0x0] =	wrdreg $0x60  }
0xae: {  	[dreg:$0x2] =	wrdreg s24  }
0xaf: {  	[dreg:$0x3] =	wrdreg s2  }
0xb0: {  	[dreg:$0x4] =	wrdreg $0x90000  }
0xb1: {  	[dreg:$0x5] =	wrdreg $0x9  }
0xb2: {  	_ =	task.clear_ibuf [dreg:s7], $0x6FFFF;
	_ =	strace $0x90000046  }
0xb3: {  	s29 =	simm.s32 $0x9;
	_ =	strace $0x80000048  }
0xb4: {  	_ =	swait.ge [sflag:s29], $0x1  }
0xb5: {  	[sflag:s29] =	ssyncadd.s32 $0xFFFFFFFF  }
0xb6: {  	_ =	strace $0x90000048  }
0xb7: {  	_ =	sfence  }
0xb8: {  	s30 =	sld [smem:$0x0];
	_ =	sdelay $0x2  }
0xb9: {  	s31 =	sshll.u32 s1, $0xD;
	s1 =	sshrl.u32 s1, $0x2  }
0xba: {  	s3 =	sand.u32 $0x4000, s31;
	s1 =	sadd.s32 s1, s30  }
0xbb: {  	s0 =	sor.u32 s3, s0;
	s1 =	sshll.u32 s1, $0x11  }
0xbc: {  	s0 =	sor.u32 s1, s0  }
0xbd: {  	s0 =	sadd.s32 $0x8F2B, s0  }
0xbe: {  	[sflag:s0] =	ssyncadd.remote.s32 $0x1  }
0xbf: {  	_ =	sfence.sel $0xFFFF  }
0xc0: {  	[dreg:$0x0] =	wrdreg $0xFFFFFFFF;
	(pc) =	sbr.abs _section_cstart, $3  }
0xc1: {  	[dreg:$0x1] =	wrdreg $0xFFFFFFFF  }
0xc2: {  	_ =	task.clear_ibuf [dreg:s7], $0x2FFFF;
	_ =	strace $0x9FFFFFFF  }
0xc3: {  	(tm) =	ssettm $0x7FFFFFFF  }
tec
execute0_lowered:
.L_overlay_start_1:
0x0: {  	(tag) =	ssettag $0x1  }
0x1: {  	s7 =	rddreg [dreg:$0x0]  }
0x2: {  	s11 =	rddreg [dreg:$0x1]  }
0x3: {  	s1 =	rddreg [dreg:$0x2];
	s2 =	srdreg.scid  }
0x4: {  	s0 =	rddreg [dreg:$0x3];
	s3 =	simm.s32 $0x0;
	s6 =	sand.u32 $0x1, s2  }
0x5: {  	s18 =	simm.s32 $0x2;
	s2 =	stileid.u32;
	s4 =	smul.u32 $0x500, s6  }
0x6: {  	s19 =	simm.s32 $0x2800;
	s20 =	simm.s32 $0x80;
	s5 =	smul.u32 $0x50, s2  }
0x7: {  	s21 =	simm.s32 $0x1;
	[smem:$0x7FF] =	sst s3;
	s23 =	smul.u32 $0x2800, s2  }
0x8: {  	s22 =	simm.s32 $0x1D000;
	_ =	strace $0x80000047;
	s25 =	smul.u32 $0x28000, s6  }
0x9: {  	s8 =	sshll.u32 s6, $0x4;
	s10 =	sshll.u32 s2, $0x7;
	s15 =	smul.u32 $0x50000, s2  }
0xa: {  	s28 =	ssub.s32 $0x2, s6;
	s24 =	sor.u32 s2, s8;
	s26 =	sand.u32 $0x380, s10  }
0xb: {  	s30 =	sshrl.u32 s28, $0x1;
	s13 =	sadd.s32 s5, s4;
	s9 =	sshrl.u32 s24, $0x3  }
0xc: {  	s4 =	sadd.s32 $0x3400, s7;
	s8 =	sadd.s32 s23, s25;
	s5 =	sadd.s32 $0x35400, s7  }
0xd: {  	s29 =	sshrl.u32 s15, $0x2;
	s17 =	ssub.s32 s28, s30;
	s23 =	simm.s32 $0x400  }
0xe: {  	s24 =	simm.s32 $0x0;
	s12 =	sshll.u32 s13, $0x4;
	s9 =	smul.u32 $0x14000, s9  }
0xf: {  	s16 =	sadd.s32 s8, s7;
	s6 =	sadd.s32 s29, s1;
	s13 =	ssub.s32 $0x9C4, s13  }
0x10: {  	s14 =	sadd.s32 s12, s7;
	s10 =	sadd.s32 $0x10000, s6;
	s11 =	sadd.s32 s11, s12  }
0x11: {  	s13 =	smin.u32 s13, $0x50;
	s15 =	sadd.s32 $0x3FC00, s16;
	s8 =	sor.u32 s26, s9  }
0x12: {  	s16 =	smax.u32 s17, $0x1;
	s17 =	simm.s32 $0x5000;
	s8 =	sshrl.u32 s8, $0x3  }
0x13: {  	s9 =	sadd.s32 $0xC000, s6;
	s12 =	sadd.s32 $0x2B400, s14;
	s31 =	sadd.s32 s8, s7  }
0x14: {  	v0 =	vimm.f32 $0.0e+00;
	v1 =	vimm.f32 $1.000000000e+00;
	s7 =	sadd.s32 $0x4000, s6;
	s8 =	sadd.s32 $0x8000, s6;
	s14 =	sadd.s32 $0x35C00, s31  }
.LBB2_1:
0x15: {  	[tilespmem:s17], [sflag:$0x2] =	stream.linear.gather [hbm4b:s5+s3], $0x4000, $0x38;
	[tilespmem:$0x1F800] =	vst v63  }
0x16: {  	_ =	swait.ge [sflag:s18], $0x4000  }
0x17: {  	[sflag:s18] =	ssyncset.done $0x0  }
0x18: {  	[sflag:s18] =	ssyncadd.s32 $0xFFFFC000  }
0x19: {  	[spmem:s6] =	stream.linear.scatter [tilespmem:s17], [sflag:$0x2], $0x4000, $0x38;
	[tilespmem:$0x1F800] =	vst v63  }
0x1a: {  	_ =	swait.ge [sflag:s18], $0x4000  }
0x1b: {  	[sflag:s18] =	ssyncset.done $0x0  }
0x1c: {  	[sflag:s18] =	ssyncadd.s32 $0xFFFFC000  }
0x1d: {  	[spmem:s7] =	stream.linear.scatter [tilespmem:s17], [sflag:$0x2], $0x4000, $0x38;
	[tilespmem:$0x1F800] =	vst v63  }
0x1e: {  	_ =	swait.ge [sflag:s18], $0x4000  }
0x1f: {  	[sflag:s18] =	ssyncset.done $0x0  }
0x20: {  	[sflag:s18] =	ssyncadd.s32 $0xFFFFC000  }
0x21: {  	[spmem:s8] =	stream.linear.scatter [tilespmem:s17], [sflag:$0x2], $0x4000, $0x38;
	[tilespmem:$0x1F800] =	vst v63  }
0x22: {  	_ =	swait.ge [sflag:s18], $0x4000  }
0x23: {  	[sflag:s18] =	ssyncset.done $0x0  }
0x24: {  	[sflag:s18] =	ssyncadd.s32 $0xFFFFC000  }
0x25: {  	[spmem:s9] =	stream.linear.scatter [tilespmem:s17], [sflag:$0x2], $0x4000, $0x38;
	[tilespmem:$0x1F800] =	vst v63  }
0x26: {  	_ =	swait.ge [sflag:s18], $0x4000  }
0x27: {  	[sflag:s18] =	ssyncset.done $0x0  }
0x28: {  	[sflag:s18] =	ssyncadd.s32 $0xFFFFC000  }
0x29: {  	[spmem:s10] =	stream.linear.scatter [tilespmem:s17], [sflag:$0x2], $0x4000, $0x38;
	[tilespmem:$0x1F800] =	vst v63  }
0x2a: {  	_ =	swait.ge [sflag:s18], $0x4000  }
0x2b: {  	[sflag:s18] =	ssyncset.done $0x0  }
0x2c: {  	[sflag:s18] =	ssyncadd.s32 $0xFFFFC000  }
0x2d: {  	[tilespmem:s3], [sflag:$0x2] =	stream.linear.gather [hbm4b:s11+s3], $0x2800, $0x38;
	[tilespmem:$0x1F800] =	vst v63  }
0x2e: {  	_ =	swait.ge [sflag:s18], $0x2800  }
0x2f: {  	[sflag:s18] =	ssyncset.done $0x0  }
0x30: {  	[sflag:s18] =	ssyncadd.s32 $0xFFFFD800  }
0x31: {  	[tilespmem:s19], [sflag:$0x2] =	stream.linear.gather [hbm4b:s12+s3], $0x2800, $0x38;
	[tilespmem:$0x1F800] =	vst v63  }
0x32: {  	_ =	swait.ge [sflag:s18], $0x2800  }
0x33: {  	[sflag:s18] =	ssyncset.done $0x0  }
0x34: {  	[sflag:s18] =	ssyncadd.s32 $0xFFFFD800  }
0x35: {  	s25 =	simm.s32 $0x0;
	[bflag:$0x0] =	sbarrier.arrive $0xFFFF  }
0x36: {  	[tilespmem:s17], [sflag:$0x1] =	stream.indirect.gather [hbm4b:s4+s20], $0x80, s25, s20, $0xb8;
	[tilespmem:$0x1F800] =	vst v63  }
0x37: {  	_ =	swait.ge [sflag:s21], $0x4000  }
0x38: {  	[sflag:s21] =	ssyncset.done $0x0  }
0x39: {  	s31 =	simm.s32 $0x2800;
	[sflag:s21] =	ssyncadd.s32 $0xFFFFC000  }
0x3a: {  	[spmem:s1] =	stream.indirect.scatter.add.f32 [tilespmem:s17], [sflag:$0x2], $0x80, s31, s20, $0xb8;
	[tilespmem:$0x1F800] =	vst v63  }
0x3b: {  	_ =	swait.ge [sflag:s18], $0x4000  }
0x3c: {  	s26 =	simm.s32 $0x400;
	s25 =	simm.s32 $0x200;
	[sflag:s18] =	ssyncset.done $0x0  }
.LBB2_2:
0x3d: {  	s28 =	sshra.s32 s25, $0x2  }
0x3e: {  	[sflag:s18] =	ssyncadd.s32 $0xFFFFC000;
	s25 =	smov.u32 s26;
	s29 =	sadd.s32 $0x200, s26  }
0x3f: {  	[tilespmem:s17], [sflag:$0x1] =	stream.indirect.gather [hbm4b:s4+s20], $0x80, s28, s20, $0xb8;
	[tilespmem:$0x1F800] =	vst v63  }
0x40: {  	p0 =	sne.s32 s26, $0x9E00;
	_ =	swait.ge [sflag:s21], $0x4000  }
.Ltmp0:
0x41: {  	[sflag:s21] =	ssyncset.done $0x0;
	(pc) =	sbr.rel @p0 .LBB2_2-.Ltmp0, $4  }
0x42: {  	s26 =	sadd.s32 $0x2800, s28;
	[sflag:s21] =	ssyncadd.s32 $0xFFFFC000  }
0x43: {  	[spmem:s1] =	stream.indirect.scatter.add.f32 [tilespmem:s17], [sflag:$0x2], $0x80, s26, s20, $0xb8;
	[tilespmem:$0x1F800] =	vst v63  }
0x44: {  	_ =	swait.ge [sflag:s18], $0x4000  }
0x45: {  	s26 =	smov.u32 s29;
	[sflag:s18] =	ssyncset.done $0x0  }
0x46: {  	s25 =	sshra.s32 s25, $0x2;
	[sflag:s18] =	ssyncadd.s32 $0xFFFFC000  }
0x47: {  	[tilespmem:s17], [sflag:$0x1] =	stream.indirect.gather [hbm4b:s4+s20], $0x80, s25, s20, $0xb8;
	[tilespmem:$0x1F800] =	vst v63  }
0x48: {  	_ =	swait.ge [sflag:s21], $0x4000  }
0x49: {  	[sflag:s21] =	ssyncset.done $0x0  }
0x4a: {  	s25 =	sadd.s32 $0x2800, s25;
	[sflag:s21] =	ssyncadd.s32 $0xFFFFC000  }
0x4b: {  	[spmem:s1] =	stream.indirect.scatter.add.f32 [tilespmem:s17], [sflag:$0x2], $0x80, s25, s20, $0xb8;
	[tilespmem:$0x1F800] =	vst v63  }
0x4c: {  	_ =	swait.ge [sflag:s18], $0x4000  }
0x4d: {  	[sflag:s18] =	ssyncset.done $0x0  }
0x4e: {  	s25 =	simm.s32 $0x0;
	[sflag:s18] =	ssyncadd.s32 $0xFFFFC000  }
.LBB2_4:
0x4f: {  	p0 =	sne.s32 s25, $0x9FC0  }
.Ltmp1:
0x50: {  	_ = 	snop;
	(pc) =	sbr.rel @p0 .LBB2_4-.Ltmp1, $3  }
0x51: {  	_ =	sdelay $0x1  }
0x52: {  	s26 =	sshra.s32 s25, $0x2  }
0x53: {  	s25 =	sadd.s32 $0x40, s25;
	[tilespmem:s26+$0x1D000] =	vst v0  }
0x54: {  	s25 =	simm.s32 $0x2840;
	s26 =	smov.u32 s13  }
.LBB2_6:
0x55: {  	v2 =	vld [tilespmem:s25+$0xFFFFFFC0];
	_ =	sdelay $0x7  }
0x56: {  	[tilespmem:v2+s22+$0x0] =	vst.idx.add.f32.msk $0xffff, v1  }
0x57: {  	v2 =	vld [tilespmem:s25+$0xFFFFFFD0];
	_ =	sdelay $0x7  }
0x58: {  	[tilespmem:v2+s22+$0x0] =	vst.idx.add.f32.msk $0xffff, v1  }
0x59: {  	v2 =	vld [tilespmem:s25+$0xFFFFFFE0];
	_ =	sdelay $0x7  }
0x5a: {  	[tilespmem:v2+s22+$0x0] =	vst.idx.add.f32.msk $0xffff, v1  }
0x5b: {  	v2 =	vld [tilespmem:s25+$0xFFFFFFF0];
	_ =	sdelay $0x7  }
0x5c: {  	[tilespmem:v2+s22+$0x0] =	vst.idx.add.f32.msk $0xffff, v1  }
0x5d: {  	v2 =	vld [tilespmem:s25+$0x0];
	_ =	sdelay $0x7  }
0x5e: {  	[tilespmem:v2+s22+$0x0] =	vst.idx.add.f32.msk $0xffff, v1  }
0x5f: {  	v2 =	vld [tilespmem:s25+$0x10];
	_ =	sdelay $0x7  }
0x60: {  	[tilespmem:v2+s22+$0x0] =	vst.idx.add.f32.msk $0xffff, v1  }
0x61: {  	v2 =	vld [tilespmem:s25+$0x20];
	_ =	sdelay $0x7  }
0x62: {  	[tilespmem:v2+s22+$0x0] =	vst.idx.add.f32.msk $0xffff, v1  }
0x63: {  	v2 =	vld [tilespmem:s25+$0x30];
	_ =	sdelay $0x2  }
0x64: {  	p0 =	sne.s32 s26, $0x1  }
.Ltmp2:
0x65: {  	_ = 	snop;
	(pc) =	sbr.rel @p0 .LBB2_6-.Ltmp2, $2  }
0x66: {  	_ =	sdelay $0x2  }
0x67: {  	s26 =	sadd.s32 $0xFFFFFFFF, s26;
	s25 =	sadd.s32 $0x80, s25;
	[tilespmem:v2+s22+$0x0] =	vst.idx.add.f32.msk $0xffff, v1  }
0x68: {  	[hbm4b:s14+s20] =	stream.strided.scatter [tilespmem:s22], [sflag:$0x2], $0x2800, s23, s20, $0x38;
	[tilespmem:$0x1F800] =	vst v63  }
0x69: {  	_ =	swait.ge [sflag:s18], $0x2800  }
0x6a: {  	s25 =	sshll.u32 s2, $0x6;
	s24 =	sadd.s32 $0x1, s24;
	[sflag:s18] =	ssyncset.done $0x0  }
0x6b: {  	s26 =	sshrl.u32 s6, $0x3;
	p0 =	sne.s32 s24, s16;
	[sflag:s18] =	ssyncadd.s32 $0xFFFFD800  }
.Ltmp3:
0x6c: {  	s25 =	sor.u32 $0x1C02, s25;
	[bflag:$0x0] =	sbarrier.arrive $0xFFFF;
	(pc) =	sbr.rel @p0 .LBB2_1-.Ltmp3, $4  }
0x6d: {  	[hbm:s15], [sflag:s25] =	dma.local [spmem:s26], $0x2800  }
0x6e: {  	_ =	swait.ge [sflag:s18], $0x2800  }
0x6f: {  	[sflag:s18] =	ssyncset.done $0x0  }
0x70: {  	[sflag:s18] =	ssyncadd.s32 $0xFFFFD800  }
0x71: {  	_ =	sfence.sel $0x180000  }
0x72: {  	[bflag:$0x0] =	sbarrier.arrive $0xFFFF  }
0x73: {  	p0 =	sne.s32 s2, $0x0;
	_ =	strace $0x90000047  }
0x74: {  	s0 =	sadd.s32 @!p0 $0x100000, s0;
	[bflag:$0x2] =	sbarrier.arrive $0xFFFF  }
0x75: {  	[sflag:s0] =	ssyncadd.tile.s32 @!p0 $0x1;
	_ =	shalt  }
.Lfunc_end2:
_tile_overlayer_lowered:
.L_overlay_start_2:
0x76: {  	(tag) =	ssettag $0x2  }
0x77: {  	s0 =	rddreg [dreg:$0x0];
	s2 =	stileid.u32  }
0x78: {  	s1 =	rddreg [dreg:$0x1];
	p0 =	sne.s32 s2, $0x0  }
0x79: {  	s3 =	rddreg [dreg:$0x2];
	[bflag:$0x3] =	sbarrier.arrive $0xFFFF;
	s2 =	simm.s32 @!p0 $0x1C02  }
0x7a: {  	[timem:s3], [sflag:s2] =	dma.local @!p0 [hbm:s0], s1  }
0x7b: {  	s0 =	simm.s32 @!p0 $0x2  }
0x7c: {  	_ =	swait.ge @!p0 [sflag:s0], s1  }
0x7d: {  	s1 =	ssub.s32 @!p0 $0x0, s1;
	[sflag:s0] =	ssyncset.done @!p0 $0x0  }
0x7e: {  	[sflag:s0] =	ssyncadd.s32 @!p0 s1  }
0x7f: {  	[bflag:$0x3] =	sbarrier.arrive $0xFFFF  }
0x80: {  	_ =	shalt  }

</sc_bundles>
